<compile_context>
chip_gen: v7x
topology: tpu7x:2x2x1
jax: 0.10.2.dev20260603
libtpu: 0.0.44.dev20260713+nightly
codegen_flags: <defaults>
</compile_context>

<pallas_src>
import functools

import jax
import jax.numpy as jnp
from jax import lax
from jax.experimental import pallas as pl
from jax.experimental.pallas import tpu as pltpu
from jax.experimental.pallas import tpu_sc as plsc

B = 128
N = 8192
L = 16
NC, NS = 2, 16
NW = NC * NS
RPW = B // NW

LO0 = 0x35000000
HI0 = 0x3F800000
TOTAL_ITERS = 28
M1 = 10


def _sc_body(scores_hbm, seqlen_hbm, out_hbm, row_v, buf_v, seq_v, vl_v):
    wid = lax.axis_index("s") * NC + lax.axis_index("c")
    pltpu.sync_copy(seqlen_hbm, seq_v.at[pl.ds(0, B)])
    lanes = lax.iota(jnp.int32, L)
    zeros_f = jnp.zeros((L,), jnp.float32)
    zeros_i = jnp.zeros((L,), jnp.int32)
    ones_i = jnp.ones((L,), jnp.int32)

    def row_body(i, vl_vec):
        row = wid * RPW + i
        pltpu.sync_copy(scores_hbm.at[row], row_v)
        s = seq_v[pl.ds(row, L)][0]
        s_vec = jnp.full((L,), s, jnp.int32)
        k = (s >> 4) + 1
        k_vec = jnp.full((L,), k, jnp.int32)
        nblk = (s + 127) >> 7

        def mask_body(jc, _):
            pos = lanes + jc * L
            d = row_v[pl.ds(jc * L, L)]
            row_v[pl.ds(jc * L, L)] = jnp.where(pos < s_vec, d, zeros_f)
            return 0
        lax.fori_loop(s >> 4, nblk * 8, mask_body, 0)

        def coarse_body(it, st):
            clo, chi = st
            mid = (clo + chi) >> 1
            t_vec = plsc.bitcast(jnp.full((L,), mid, jnp.int32), jnp.float32)

            def cnt_body(jb, acc):
                base = jb * (8 * L)
                for u in range(8):
                    d = row_v[pl.ds(base + u * L, L)]
                    acc = acc + jnp.where(d >= t_vec, ones_i, zeros_i)
                return acc
            cnt = jnp.sum(lax.fori_loop(0, nblk, cnt_body, zeros_i))
            ge = cnt >= k
            return jnp.where(ge, mid, clo), jnp.where(ge, chi, mid)
        lo, hi = lax.fori_loop(0, M1, coarse_body,
                               (jnp.int32(LO0), jnp.int32(HI0)))
        hi_vec = plsc.bitcast(jnp.full((L,), hi, jnp.int32), jnp.float32)
        lo_vec = plsc.bitcast(jnp.full((L,), lo, jnp.int32), jnp.float32)

        def band_body(jb, st):
            sacc, cacc, off = st
            base = jb * (8 * L)
            for u in range(8):
                d = row_v[pl.ds(base + u * L, L)]
                m_hi = d >= hi_vec
                m_band = (d >= lo_vec) & jnp.logical_not(m_hi)
                sacc = sacc + jnp.where(m_hi, d, zeros_f)
                cacc = cacc + jnp.where(m_hi, ones_i, zeros_i)
                buf_v[pl.ds(off, L)] = d
                pc = plsc.all_reduce_population_count(m_band)
                off = off + jnp.where(pc[0] > 0, L, 0)
            return sacc, cacc, off
        sacc, cacc, off = lax.fori_loop(
            0, nblk, band_body, (zeros_f, zeros_i, jnp.int32(0)))
        sum_hi = jnp.sum(sacc)
        cnt_hi = jnp.sum(cacc)
        nbc = off >> 4

        def search_body(it, st):
            clo, chi = st
            mid = (clo + chi) >> 1
            t_vec = plsc.bitcast(jnp.full((L,), mid, jnp.int32), jnp.float32)

            def cnt2_body(jb, acc):
                d = buf_v[pl.ds(jb * L, L)]
                m = (d >= t_vec) & (d < hi_vec)
                return acc + jnp.where(m, ones_i, zeros_i)
            cnt = cnt_hi + jnp.sum(lax.fori_loop(0, nbc, cnt2_body, zeros_i))
            ge = cnt >= k
            return jnp.where(ge, mid, clo), jnp.where(ge, chi, mid)
        lo2, _ = lax.fori_loop(0, TOTAL_ITERS - M1, search_body, (lo, hi))
        t_vec = plsc.bitcast(jnp.full((L,), lo2, jnp.int32), jnp.float32)

        def fin_body(jb, st):
            sa, ca = st
            d = buf_v[pl.ds(jb * L, L)]
            gt = (d > t_vec) & (d < hi_vec)
            return sa + jnp.where(gt, d, zeros_f), ca + jnp.where(gt, ones_i, zeros_i)
        sfin, cfin = lax.fori_loop(0, nbc, fin_body, (zeros_f, zeros_i))

        tot_vec = (jnp.full((L,), sum_hi) + jnp.full((L,), jnp.sum(sfin))
                   + (k_vec - jnp.full((L,), cnt_hi, jnp.int32)
                      - jnp.full((L,), jnp.sum(cfin), jnp.int32)
                      ).astype(jnp.float32) * t_vec)
        i_vec = jnp.full((L,), i, jnp.int32)
        vl_vec = jnp.where(lanes == i_vec, tot_vec, vl_vec)
        vl_vec = jnp.where(lanes == i_vec + RPW, k_vec.astype(jnp.float32), vl_vec)
        return vl_vec

    vl_v[...] = lax.fori_loop(0, RPW, row_body, zeros_f)
    pltpu.sync_copy(vl_v, out_hbm.at[wid])


_sc_topk = pl.kernel(
    _sc_body,
    out_type=jax.ShapeDtypeStruct((NW, L), jnp.float32),
    mesh=plsc.VectorSubcoreMesh(core_axis_name="c", subcore_axis_name="s"),
    scratch_types=[
        pltpu.VMEM((N,), jnp.float32),
        pltpu.VMEM((N,), jnp.float32),
        pltpu.VMEM((B + L,), jnp.int32),
        pltpu.VMEM((L,), jnp.float32),
    ],
    compiler_params=pltpu.CompilerParams(needs_layout_passes=False),
)


def _tc_bce_body(vl_ref, lab_ref, out_ref):
    raw = vl_ref[...]
    v = raw[:, :RPW] / raw[:, RPW:2 * RPW]
    lab = lab_ref[...]
    terms = lab * jnp.log(v) + (1.0 - lab) * jnp.log(1.0 - v)
    out_ref[0, 0] = -jnp.sum(terms) / B


_tc_bce = pl.pallas_call(
    _tc_bce_body,
    out_shape=jax.ShapeDtypeStruct((1, 1), jnp.float32),
    out_specs=pl.BlockSpec(memory_space=pltpu.SMEM),
)


@jax.jit
def kernel(scores, label, seqlen):
    vl_raw = _sc_topk(scores, seqlen)
    loss = _tc_bce(vl_raw, label.reshape(NW, RPW))
    return loss[0, 0]

# --- scband reference (transcript-rebuilt; emitter-appended) ---
"""Pipeline reference for scband-clas-21912923144536 (READ-ONLY COPY).

The authoritative reference and input builder live on the scoring server;
editing this copy changes nothing except your own understanding.
"""

import jax, jax.numpy as jnp
import numpy as np

B = 128
N = 8192
K_CFG = -1  # k == -1 -> adaptive k = seqlen // 16 + 1


def setup_inputs(seed: int = 0) -> dict:
    key = jax.random.key(seed)
    k1, k2, k3 = jax.random.split(key, 3)
    scores = jax.random.uniform(k1, (B, N), dtype=jnp.float32)
    # BCELoss expects probabilities in (0, 1); keep away from exact 0/1 for log stability
    scores = jnp.clip(scores, 1e-6, 1.0 - 1e-6)
    label = jax.random.uniform(k2, (B,), dtype=jnp.float32)
    seqlen = jnp.maximum(jax.random.randint(k3, (B,), 0, N), 1).astype(jnp.int32)
    return {"scores": scores, "label": label, "seqlen": seqlen}


def _get_k(s):
    if K_CFG == -1:
        return s // 16 + 1
    return jnp.minimum(s, K_CFG)


def reference(scores, label, seqlen):
    # per_crop=True with ncrops=1 -> repeat_interleave(1) is identity on seqlen/label
    n = scores.shape[1]
    if K_CFG == -1:
        kmax = n // 16 + 1
    else:
        kmax = min(n, K_CFG)
    pos = jnp.arange(n, dtype=jnp.int32)
    valid = pos[None, :] < seqlen[:, None]
    masked = jnp.where(valid, scores, -jnp.inf)
    topv, _ = jax.lax.top_k(masked, kmax)
    kk = _get_k(seqlen)
    kidx = jnp.arange(kmax, dtype=jnp.int32)
    sel = kidx[None, :] < kk[:, None]
    vl_scores = jnp.sum(jnp.where(sel, topv, 0.0), axis=1) / kk
    # nn.BCELoss with mean reduction
    loss = -jnp.mean(label * jnp.log(vl_scores) + (1.0 - label) * jnp.log(1.0 - vl_scores))
    return loss

if __name__ == "__main__":
    import jax
    _d = setup_inputs()
    print(jax.jit(kernel)(*tuple(_d.values())))

</pallas_src>

<mosaic_0001>
#map = affine_map<(d0, d1) -> (0, 0)>
#map1 = affine_map<(d0, d1) -> (0)>
module attributes {stable_mosaic.version = 14 : i64} {
  func.func @_sc_body(%arg0: i32, %arg1: i32, %arg2: memref<128x8192xf32, #tpu.memory_space<hbm>>, %arg3: memref<128xi32, #tpu.memory_space<hbm>>, %arg4: memref<32x16xf32, #tpu.memory_space<hbm>>, %arg5: memref<8192xf32, #tpu.memory_space<vmem>>, %arg6: memref<8192xf32, #tpu.memory_space<vmem>>, %arg7: memref<144xi32, #tpu.memory_space<vmem>>, %arg8: memref<16xf32, #tpu.memory_space<vmem>>) attributes {dimension_semantics = [#tpu.dimension_semantics<core_parallel>, #tpu.dimension_semantics<subcore_parallel>], iteration_bounds = array<i64: 2, 16>, scalar_prefetch = 0 : i64, scratch_operands = 4 : i64, tpu.core_type = #tpu.core_type<sc_vector_subcore>, window_params = [{transform_indices = #map}, {transform_indices = #map1}, {transform_indices = #map}]} {
    %mul3A = arith.constant 2 : i32
    %mul3A_0 = arith.muli %arg1, %mul3A : i32
    %add3A = arith.addi %mul3A_0, %arg0 : i32
    "tpu.region"() ({
      %run_scoped3A = tpu.sem_alloc : memref<!tpu.dma_semaphore, #tpu.memory_space<semaphore_mem>>
      %dma_start3A = arith.constant 0 : i32
      %dma_start3A_12 = tpu.memref_slice %arg7[%dma_start3A] : memref<144xi32, #tpu.memory_space<vmem>> -> memref<128xi32, #tpu.memory_space<vmem>>
      %dma_start3A_13 = arith.constant 0 : i32
      %dma_start3A_14 = tpu.memref_slice %arg7[%dma_start3A_13] : memref<144xi32, #tpu.memory_space<vmem>> -> memref<128xi32, #tpu.memory_space<vmem>>
      tpu.enqueue_dma source(%arg3 : memref<128xi32, #tpu.memory_space<hbm>>) target(%dma_start3A_14 : memref<128xi32, #tpu.memory_space<vmem>>) target_semaphore(%run_scoped3A : memref<!tpu.dma_semaphore, #tpu.memory_space<semaphore_mem>>)
      %dma_wait3A = arith.constant 0 : i32
      %dma_wait3A_15 = tpu.memref_slice %arg7[%dma_wait3A] : memref<144xi32, #tpu.memory_space<vmem>> -> memref<128xi32, #tpu.memory_space<vmem>>
      %dma_wait3A_16 = arith.constant 0 : i32
      %dma_wait3A_17 = tpu.memref_slice %arg7[%dma_wait3A_16] : memref<144xi32, #tpu.memory_space<vmem>> -> memref<128xi32, #tpu.memory_space<vmem>>
      tpu.wait_dma2 semaphore(%run_scoped3A : memref<!tpu.dma_semaphore, #tpu.memory_space<semaphore_mem>>) src(%arg3 : memref<128xi32, #tpu.memory_space<hbm>>) dst(%dma_wait3A_17 : memref<128xi32, #tpu.memory_space<vmem>>)
      tpu.yield
    }) : () -> ()
    %iota3A = tpu.iota {dimensions = array<i32: 0>} : vector<16xi32>
    %broadcast_in_dim3A = arith.constant 0.000000e+00 : f32
    %broadcast_in_dim3A_1 = vector.broadcast %broadcast_in_dim3A : f32 to vector<16xf32>
    %broadcast_in_dim3A_2 = arith.constant 0 : i32
    %broadcast_in_dim3A_3 = vector.broadcast %broadcast_in_dim3A_2 : i32 to vector<16xi32>
    %broadcast_in_dim3A_4 = arith.constant 1 : i32
    %broadcast_in_dim3A_5 = vector.broadcast %broadcast_in_dim3A_4 : i32 to vector<16xi32>
    %scan3A = arith.constant 0 : i32
    %scan3A_6 = arith.constant 4 : i32
    %scan3A_7 = arith.addi %scan3A, %scan3A_6 : i32
    %scan3A_8 = arith.constant 1 : i32
    %scan3A_9 = scf.for %scan3A_12 = %scan3A to %scan3A_7 step %scan3A_8 iter_args(%scan3A_13 = %broadcast_in_dim3A_1) -> (vector<16xf32>)  : i32 {
      %mul3A_14 = arith.constant 4 : i32
      %mul3A_15 = arith.muli %add3A, %mul3A_14 : i32
      %add3A_16 = arith.addi %mul3A_15, %scan3A_12 : i32
      "tpu.region"() ({
        %run_scoped3A = tpu.sem_alloc : memref<!tpu.dma_semaphore, #tpu.memory_space<semaphore_mem>>
        %dma_start3A = arith.constant 0 : i32
        %dma_start3A_115 = tpu.memref_slice %arg2[%add3A_16, %dma_start3A] : memref<128x8192xf32, #tpu.memory_space<hbm>> -> memref<1x8192xf32, #tpu.memory_space<hbm>>
        %dma_start3A_116 = tpu.memref_squeeze %dma_start3A_115 : memref<1x8192xf32, #tpu.memory_space<hbm>> -> memref<8192xf32, #tpu.memory_space<hbm>>
        %dma_start3A_117 = arith.constant 0 : i32
        %dma_start3A_118 = tpu.memref_slice %arg2[%add3A_16, %dma_start3A_117] : memref<128x8192xf32, #tpu.memory_space<hbm>> -> memref<1x8192xf32, #tpu.memory_space<hbm>>
        %dma_start3A_119 = tpu.memref_squeeze %dma_start3A_118 : memref<1x8192xf32, #tpu.memory_space<hbm>> -> memref<8192xf32, #tpu.memory_space<hbm>>
        tpu.enqueue_dma source(%dma_start3A_119 : memref<8192xf32, #tpu.memory_space<hbm>>) target(%arg5 : memref<8192xf32, #tpu.memory_space<vmem>>) target_semaphore(%run_scoped3A : memref<!tpu.dma_semaphore, #tpu.memory_space<semaphore_mem>>)
        %dma_wait3A = arith.constant 0 : i32
        %dma_wait3A_120 = tpu.memref_slice %arg2[%add3A_16, %dma_wait3A] : memref<128x8192xf32, #tpu.memory_space<hbm>> -> memref<1x8192xf32, #tpu.memory_space<hbm>>
        %dma_wait3A_121 = tpu.memref_squeeze %dma_wait3A_120 : memref<1x8192xf32, #tpu.memory_space<hbm>> -> memref<8192xf32, #tpu.memory_space<hbm>>
        %dma_wait3A_122 = arith.constant 0 : i32
        %dma_wait3A_123 = tpu.memref_slice %arg2[%add3A_16, %dma_wait3A_122] : memref<128x8192xf32, #tpu.memory_space<hbm>> -> memref<1x8192xf32, #tpu.memory_space<hbm>>
        %dma_wait3A_124 = tpu.memref_squeeze %dma_wait3A_123 : memref<1x8192xf32, #tpu.memory_space<hbm>> -> memref<8192xf32, #tpu.memory_space<hbm>>
        tpu.wait_dma2 semaphore(%run_scoped3A : memref<!tpu.dma_semaphore, #tpu.memory_space<semaphore_mem>>) src(%dma_wait3A_124 : memref<8192xf32, #tpu.memory_space<hbm>>) dst(%arg5 : memref<8192xf32, #tpu.memory_space<vmem>>)
        tpu.yield
      }) : () -> ()
      %get3A = arith.index_cast %add3A_16 : i32 to index
      %get3A_17 = tpu.vector_load %arg7[%get3A] {strides = array<i32>} : memref<144xi32, #tpu.memory_space<vmem>>, vector<16xi32>,
      %slice3A = vector.extract_strided_slice %get3A_17 {offsets = [0], sizes = [1], strides = [1]} : vector<16xi32> to vector<1xi32>
      %squeeze3A = vector.extract %slice3A[0] : i32 from vector<1xi32>
      %broadcast_in_dim3A_18 = vector.broadcast %squeeze3A : i32 to vector<16xi32>
      %shift_right_arithmetic3A = arith.constant 4 : i32
      %shift_right_arithmetic3A_19 = arith.shrsi %squeeze3A, %shift_right_arithmetic3A : i32
      %add3A_20 = arith.constant 1 : i32
      %add3A_21 = arith.addi %shift_right_arithmetic3A_19, %add3A_20 : i32
      %broadcast_in_dim3A_22 = vector.broadcast %add3A_21 : i32 to vector<16xi32>
      %add3A_23 = arith.constant 127 : i32
      %add3A_24 = arith.addi %squeeze3A, %add3A_23 : i32
      %shift_right_arithmetic3A_25 = arith.constant 7 : i32
      %shift_right_arithmetic3A_26 = arith.shrsi %add3A_24, %shift_right_arithmetic3A_25 : i32
      %shift_right_arithmetic3A_27 = arith.constant 4 : i32
      %shift_right_arithmetic3A_28 = arith.shrsi %squeeze3A, %shift_right_arithmetic3A_27 : i32
      %mul3A_29 = arith.constant 8 : i32
      %mul3A_30 = arith.muli %shift_right_arithmetic3A_26, %mul3A_29 : i32
      %while3A = arith.constant 0 : i32
      %while3A_31 = arith.subi %mul3A_30, %shift_right_arithmetic3A_28 : i32
      %while3A_32 = arith.addi %shift_right_arithmetic3A_28, %while3A_31 : i32
      %while3A_33 = arith.constant 1 : i32
      %while3A_34 = arith.divsi %while3A_31, %while3A_33 : i32
      %while3A_35 = arith.muli %while3A_34, %while3A_33 : i32
      %while3A_36 = arith.addi %shift_right_arithmetic3A_28, %while3A_35 : i32
      %while3A_37 = arith.constant 1 : i32
      %while3A_38 = scf.for %while3A_115 = %shift_right_arithmetic3A_28 to %while3A_36 step %while3A_37 iter_args(%while3A_116 = %while3A) -> (i32)  : i32 {
        %mul3A_117 = arith.constant 16 : i32
        %mul3A_118 = arith.muli %while3A_115, %mul3A_117 : i32
        %add3A_119 = vector.broadcast %mul3A_118 : i32 to vector<16xi32>
        %add3A_120 = arith.addi %iota3A, %add3A_119 : vector<16xi32>
        %mul3A_121 = arith.constant 16 : i32
        %mul3A_122 = arith.muli %while3A_115, %mul3A_121 : i32
        %get3A_123 = arith.index_cast %mul3A_122 : i32 to index
        %get3A_124 = tpu.vector_load %arg5[%get3A_123] {strides = array<i32>} : memref<8192xf32, #tpu.memory_space<vmem>>, vector<16xf32>,
        %lt3A = arith.cmpi slt, %add3A_120, %broadcast_in_dim3A_18 : vector<16xi32>
        %select_n3A_125 = arith.select %lt3A, %get3A_124, %broadcast_in_dim3A_1 : vector<16xi1>, vector<16xf32>
        %mul3A_126 = arith.constant 16 : i32
        %mul3A_127 = arith.muli %while3A_115, %mul3A_126 : i32
        %swap3A_128 = arith.index_cast %mul3A_127 : i32 to index
        %swap3A_129 = tpu.vector_load %arg5[%swap3A_128] {strides = array<i32>} : memref<8192xf32, #tpu.memory_space<vmem>>, vector<16xf32>,
        tpu.vector_store %arg5[%swap3A_128], %select_n3A_125 {strides = array<i32>} : memref<8192xf32, #tpu.memory_space<vmem>>, vector<16xf32>,
        %while3A_130 = arith.constant 0 : i32
        scf.yield %while3A_130 : i32
      }
      %while3A_39 = arith.constant 1 : i32
      %while3A_40 = scf.for %while3A_115 = %while3A_36 to %while3A_32 step %while3A_39 iter_args(%while3A_116 = %while3A_38) -> (i32)  : i32 {
        %mul3A_117 = arith.constant 16 : i32
        %mul3A_118 = arith.muli %while3A_115, %mul3A_117 : i32
        %add3A_119 = vector.broadcast %mul3A_118 : i32 to vector<16xi32>
        %add3A_120 = arith.addi %iota3A, %add3A_119 : vector<16xi32>
        %mul3A_121 = arith.constant 16 : i32
        %mul3A_122 = arith.muli %while3A_115, %mul3A_121 : i32
        %get3A_123 = arith.index_cast %mul3A_122 : i32 to index
        %get3A_124 = tpu.vector_load %arg5[%get3A_123] {strides = array<i32>} : memref<8192xf32, #tpu.memory_space<vmem>>, vector<16xf32>,
        %lt3A = arith.cmpi slt, %add3A_120, %broadcast_in_dim3A_18 : vector<16xi32>
        %select_n3A_125 = arith.select %lt3A, %get3A_124, %broadcast_in_dim3A_1 : vector<16xi1>, vector<16xf32>
        %mul3A_126 = arith.constant 16 : i32
        %mul3A_127 = arith.muli %while3A_115, %mul3A_126 : i32
        %swap3A_128 = arith.index_cast %mul3A_127 : i32 to index
        %swap3A_129 = tpu.vector_load %arg5[%swap3A_128] {strides = array<i32>} : memref<8192xf32, #tpu.memory_space<vmem>>, vector<16xf32>,
        tpu.vector_store %arg5[%swap3A_128], %select_n3A_125 {strides = array<i32>} : memref<8192xf32, #tpu.memory_space<vmem>>, vector<16xf32>,
        %while3A_130 = arith.constant 0 : i32
        scf.yield %while3A_130 : i32
      }
      %scan3A_41 = arith.constant 889192448 : i32
      %scan3A_42 = arith.constant 1065353216 : i32
      %scan3A_43 = arith.constant 0 : i32
      %scan3A_44 = arith.constant 10 : i32
      %scan3A_45 = arith.addi %scan3A_43, %scan3A_44 : i32
      %scan3A_46 = arith.constant 1 : i32
      %scan3A_47:2 = scf.for %scan3A_115 = %scan3A_43 to %scan3A_45 step %scan3A_46 iter_args(%scan3A_116 = %scan3A_41, %scan3A_117 = %scan3A_42) -> (i32, i32)  : i32 {
        %add3A_118 = arith.addi %scan3A_116, %scan3A_117 : i32
        %shift_right_arithmetic3A_119 = arith.constant 1 : i32
        %shift_right_arithmetic3A_120 = arith.shrsi %add3A_118, %shift_right_arithmetic3A_119 : i32
        %broadcast_in_dim3A_121 = vector.broadcast %shift_right_arithmetic3A_120 : i32 to vector<16xi32>
        %bitcast3A_122 = vector.bitcast %broadcast_in_dim3A_121 : vector<16xi32> to vector<16xf32>
        %while3A_123 = arith.constant 0 : i32
        %while3A_124 = arith.subi %shift_right_arithmetic3A_26, %while3A_123 : i32
        %while3A_125 = arith.addi %while3A_123, %while3A_124 : i32
        %while3A_126 = arith.constant 1 : i32
        %while3A_127 = arith.divsi %while3A_124, %while3A_126 : i32
        %while3A_128 = arith.muli %while3A_127, %while3A_126 : i32
        %while3A_129 = arith.addi %while3A_123, %while3A_128 : i32
        %while3A_130 = arith.constant 1 : i32
        %while3A_131 = scf.for %while3A_140 = %while3A_123 to %while3A_129 step %while3A_130 iter_args(%while3A_141 = %broadcast_in_dim3A_3) -> (vector<16xi32>)  : i32 {
          %mul3A_142 = arith.constant 128 : i32
          %mul3A_143 = arith.muli %while3A_140, %mul3A_142 : i32
          %add3A_144 = arith.constant 0 : i32
          %add3A_145 = arith.addi %mul3A_143, %add3A_144 : i32
          %get3A_146 = arith.index_cast %add3A_145 : i32 to index
          %get3A_147 = tpu.vector_load %arg5[%get3A_146] {strides = array<i32>} : memref<8192xf32, #tpu.memory_space<vmem>>, vector<16xf32>,
          %ge3A_148 = arith.cmpf oge, %get3A_147, %bitcast3A_122 : vector<16xf32>
          %select_n3A_149 = arith.select %ge3A_148, %broadcast_in_dim3A_5, %broadcast_in_dim3A_3 : vector<16xi1>, vector<16xi32>
          %add3A_150 = arith.addi %while3A_141, %select_n3A_149 : vector<16xi32>
          %add3A_151 = arith.constant 16 : i32
          %add3A_152 = arith.addi %mul3A_143, %add3A_151 : i32
          %get3A_153 = arith.index_cast %add3A_152 : i32 to index
          %get3A_154 = tpu.vector_load %arg5[%get3A_153] {strides = array<i32>} : memref<8192xf32, #tpu.memory_space<vmem>>, vector<16xf32>,
          %ge3A_155 = arith.cmpf oge, %get3A_154, %bitcast3A_122 : vector<16xf32>
          %select_n3A_156 = arith.select %ge3A_155, %broadcast_in_dim3A_5, %broadcast_in_dim3A_3 : vector<16xi1>, vector<16xi32>
          %add3A_157 = arith.addi %add3A_150, %select_n3A_156 : vector<16xi32>
          %add3A_158 = arith.constant 32 : i32
          %add3A_159 = arith.addi %mul3A_143, %add3A_158 : i32
          %get3A_160 = arith.index_cast %add3A_159 : i32 to index
          %get3A_161 = tpu.vector_load %arg5[%get3A_160] {strides = array<i32>} : memref<8192xf32, #tpu.memory_space<vmem>>, vector<16xf32>,
          %ge3A_162 = arith.cmpf oge, %get3A_161, %bitcast3A_122 : vector<16xf32>
          %select_n3A_163 = arith.select %ge3A_162, %broadcast_in_dim3A_5, %broadcast_in_dim3A_3 : vector<16xi1>, vector<16xi32>
          %add3A_164 = arith.addi %add3A_157, %select_n3A_163 : vector<16xi32>
          %add3A_165 = arith.constant 48 : i32
          %add3A_166 = arith.addi %mul3A_143, %add3A_165 : i32
          %get3A_167 = arith.index_cast %add3A_166 : i32 to index
          %get3A_168 = tpu.vector_load %arg5[%get3A_167] {strides = array<i32>} : memref<8192xf32, #tpu.memory_space<vmem>>, vector<16xf32>,
          %ge3A_169 = arith.cmpf oge, %get3A_168, %bitcast3A_122 : vector<16xf32>
          %select_n3A_170 = arith.select %ge3A_169, %broadcast_in_dim3A_5, %broadcast_in_dim3A_3 : vector<16xi1>, vector<16xi32>
          %add3A_171 = arith.addi %add3A_164, %select_n3A_170 : vector<16xi32>
          %add3A_172 = arith.constant 64 : i32
          %add3A_173 = arith.addi %mul3A_143, %add3A_172 : i32
          %get3A_174 = arith.index_cast %add3A_173 : i32 to index
          %get3A_175 = tpu.vector_load %arg5[%get3A_174] {strides = array<i32>} : memref<8192xf32, #tpu.memory_space<vmem>>, vector<16xf32>,
          %ge3A_176 = arith.cmpf oge, %get3A_175, %bitcast3A_122 : vector<16xf32>
          %select_n3A_177 = arith.select %ge3A_176, %broadcast_in_dim3A_5, %broadcast_in_dim3A_3 : vector<16xi1>, vector<16xi32>
          %add3A_178 = arith.addi %add3A_171, %select_n3A_177 : vector<16xi32>
          %add3A_179 = arith.constant 80 : i32
          %add3A_180 = arith.addi %mul3A_143, %add3A_179 : i32
          %get3A_181 = arith.index_cast %add3A_180 : i32 to index
          %get3A_182 = tpu.vector_load %arg5[%get3A_181] {strides = array<i32>} : memref<8192xf32, #tpu.memory_space<vmem>>, vector<16xf32>,
          %ge3A_183 = arith.cmpf oge, %get3A_182, %bitcast3A_122 : vector<16xf32>
          %select_n3A_184 = arith.select %ge3A_183, %broadcast_in_dim3A_5, %broadcast_in_dim3A_3 : vector<16xi1>, vector<16xi32>
          %add3A_185 = arith.addi %add3A_178, %select_n3A_184 : vector<16xi32>
          %add3A_186 = arith.constant 96 : i32
          %add3A_187 = arith.addi %mul3A_143, %add3A_186 : i32
          %get3A_188 = arith.index_cast %add3A_187 : i32 to index
          %get3A_189 = tpu.vector_load %arg5[%get3A_188] {strides = array<i32>} : memref<8192xf32, #tpu.memory_space<vmem>>, vector<16xf32>,
          %ge3A_190 = arith.cmpf oge, %get3A_189, %bitcast3A_122 : vector<16xf32>
          %select_n3A_191 = arith.select %ge3A_190, %broadcast_in_dim3A_5, %broadcast_in_dim3A_3 : vector<16xi1>, vector<16xi32>
          %add3A_192 = arith.addi %add3A_185, %select_n3A_191 : vector<16xi32>
          %add3A_193 = arith.constant 112 : i32
          %add3A_194 = arith.addi %mul3A_143, %add3A_193 : i32
          %get3A_195 = arith.index_cast %add3A_194 : i32 to index
          %get3A_196 = tpu.vector_load %arg5[%get3A_195] {strides = array<i32>} : memref<8192xf32, #tpu.memory_space<vmem>>, vector<16xf32>,
          %ge3A_197 = arith.cmpf oge, %get3A_196, %bitcast3A_122 : vector<16xf32>
          %select_n3A_198 = arith.select %ge3A_197, %broadcast_in_dim3A_5, %broadcast_in_dim3A_3 : vector<16xi1>, vector<16xi32>
          %add3A_199 = arith.addi %add3A_192, %select_n3A_198 : vector<16xi32>
          scf.yield %add3A_199 : vector<16xi32>
        }
        %while3A_132 = arith.constant 1 : i32
        %while3A_133 = scf.for %while3A_140 = %while3A_129 to %while3A_125 step %while3A_132 iter_args(%while3A_141 = %while3A_131) -> (vector<16xi32>)  : i32 {
          %mul3A_142 = arith.constant 128 : i32
          %mul3A_143 = arith.muli %while3A_140, %mul3A_142 : i32
          %add3A_144 = arith.constant 0 : i32
          %add3A_145 = arith.addi %mul3A_143, %add3A_144 : i32
          %get3A_146 = arith.index_cast %add3A_145 : i32 to index
          %get3A_147 = tpu.vector_load %arg5[%get3A_146] {strides = array<i32>} : memref<8192xf32, #tpu.memory_space<vmem>>, vector<16xf32>,
          %ge3A_148 = arith.cmpf oge, %get3A_147, %bitcast3A_122 : vector<16xf32>
          %select_n3A_149 = arith.select %ge3A_148, %broadcast_in_dim3A_5, %broadcast_in_dim3A_3 : vector<16xi1>, vector<16xi32>
          %add3A_150 = arith.addi %while3A_141, %select_n3A_149 : vector<16xi32>
          %add3A_151 = arith.constant 16 : i32
          %add3A_152 = arith.addi %mul3A_143, %add3A_151 : i32
          %get3A_153 = arith.index_cast %add3A_152 : i32 to index
          %get3A_154 = tpu.vector_load %arg5[%get3A_153] {strides = array<i32>} : memref<8192xf32, #tpu.memory_space<vmem>>, vector<16xf32>,
          %ge3A_155 = arith.cmpf oge, %get3A_154, %bitcast3A_122 : vector<16xf32>
          %select_n3A_156 = arith.select %ge3A_155, %broadcast_in_dim3A_5, %broadcast_in_dim3A_3 : vector<16xi1>, vector<16xi32>
          %add3A_157 = arith.addi %add3A_150, %select_n3A_156 : vector<16xi32>
          %add3A_158 = arith.constant 32 : i32
          %add3A_159 = arith.addi %mul3A_143, %add3A_158 : i32
          %get3A_160 = arith.index_cast %add3A_159 : i32 to index
          %get3A_161 = tpu.vector_load %arg5[%get3A_160] {strides = array<i32>} : memref<8192xf32, #tpu.memory_space<vmem>>, vector<16xf32>,
          %ge3A_162 = arith.cmpf oge, %get3A_161, %bitcast3A_122 : vector<16xf32>
          %select_n3A_163 = arith.select %ge3A_162, %broadcast_in_dim3A_5, %broadcast_in_dim3A_3 : vector<16xi1>, vector<16xi32>
          %add3A_164 = arith.addi %add3A_157, %select_n3A_163 : vector<16xi32>
          %add3A_165 = arith.constant 48 : i32
          %add3A_166 = arith.addi %mul3A_143, %add3A_165 : i32
          %get3A_167 = arith.index_cast %add3A_166 : i32 to index
          %get3A_168 = tpu.vector_load %arg5[%get3A_167] {strides = array<i32>} : memref<8192xf32, #tpu.memory_space<vmem>>, vector<16xf32>,
          %ge3A_169 = arith.cmpf oge, %get3A_168, %bitcast3A_122 : vector<16xf32>
          %select_n3A_170 = arith.select %ge3A_169, %broadcast_in_dim3A_5, %broadcast_in_dim3A_3 : vector<16xi1>, vector<16xi32>
          %add3A_171 = arith.addi %add3A_164, %select_n3A_170 : vector<16xi32>
          %add3A_172 = arith.constant 64 : i32
          %add3A_173 = arith.addi %mul3A_143, %add3A_172 : i32
          %get3A_174 = arith.index_cast %add3A_173 : i32 to index
          %get3A_175 = tpu.vector_load %arg5[%get3A_174] {strides = array<i32>} : memref<8192xf32, #tpu.memory_space<vmem>>, vector<16xf32>,
          %ge3A_176 = arith.cmpf oge, %get3A_175, %bitcast3A_122 : vector<16xf32>
          %select_n3A_177 = arith.select %ge3A_176, %broadcast_in_dim3A_5, %broadcast_in_dim3A_3 : vector<16xi1>, vector<16xi32>
          %add3A_178 = arith.addi %add3A_171, %select_n3A_177 : vector<16xi32>
          %add3A_179 = arith.constant 80 : i32
          %add3A_180 = arith.addi %mul3A_143, %add3A_179 : i32
          %get3A_181 = arith.index_cast %add3A_180 : i32 to index
          %get3A_182 = tpu.vector_load %arg5[%get3A_181] {strides = array<i32>} : memref<8192xf32, #tpu.memory_space<vmem>>, vector<16xf32>,
          %ge3A_183 = arith.cmpf oge, %get3A_182, %bitcast3A_122 : vector<16xf32>
          %select_n3A_184 = arith.select %ge3A_183, %broadcast_in_dim3A_5, %broadcast_in_dim3A_3 : vector<16xi1>, vector<16xi32>
          %add3A_185 = arith.addi %add3A_178, %select_n3A_184 : vector<16xi32>
          %add3A_186 = arith.constant 96 : i32
          %add3A_187 = arith.addi %mul3A_143, %add3A_186 : i32
          %get3A_188 = arith.index_cast %add3A_187 : i32 to index
          %get3A_189 = tpu.vector_load %arg5[%get3A_188] {strides = array<i32>} : memref<8192xf32, #tpu.memory_space<vmem>>, vector<16xf32>,
          %ge3A_190 = arith.cmpf oge, %get3A_189, %bitcast3A_122 : vector<16xf32>
          %select_n3A_191 = arith.select %ge3A_190, %broadcast_in_dim3A_5, %broadcast_in_dim3A_3 : vector<16xi1>, vector<16xi32>
          %add3A_192 = arith.addi %add3A_185, %select_n3A_191 : vector<16xi32>
          %add3A_193 = arith.constant 112 : i32
          %add3A_194 = arith.addi %mul3A_143, %add3A_193 : i32
          %get3A_195 = arith.index_cast %add3A_194 : i32 to index
          %get3A_196 = tpu.vector_load %arg5[%get3A_195] {strides = array<i32>} : memref<8192xf32, #tpu.memory_space<vmem>>, vector<16xf32>,
          %ge3A_197 = arith.cmpf oge, %get3A_196, %bitcast3A_122 : vector<16xf32>
          %select_n3A_198 = arith.select %ge3A_197, %broadcast_in_dim3A_5, %broadcast_in_dim3A_3 : vector<16xi1>, vector<16xi32>
          %add3A_199 = arith.addi %add3A_192, %select_n3A_198 : vector<16xi32>
          scf.yield %add3A_199 : vector<16xi32>
        }
        %reduce_sum3A_134 = arith.constant true
        %reduce_sum3A_135 = vector.broadcast %reduce_sum3A_134 : i1 to vector<16xi1>
        %reduce_sum3A_136 = tpu.scan <sum>, %while3A_133 masked %reduce_sum3A_135 : vector<16xi32>, vector<16xi1> -> vector<16xi32>
        %reduce_sum3A_137 = vector.extract %reduce_sum3A_136[15] : i32 from vector<16xi32>
        %ge3A = arith.cmpi sge, %reduce_sum3A_137, %add3A_21 : i32
        %select_n3A_138 = arith.select %ge3A, %shift_right_arithmetic3A_120, %scan3A_116 : i32
        %select_n3A_139 = arith.select %ge3A, %scan3A_117, %shift_right_arithmetic3A_120 : i32
        scf.yield %select_n3A_138, %select_n3A_139 : i32, i32
      }
      %scan3A_48 = arith.constant 10 : i32
      %broadcast_in_dim3A_49 = vector.broadcast %scan3A_47#1 : i32 to vector<16xi32>
      %bitcast3A = vector.bitcast %broadcast_in_dim3A_49 : vector<16xi32> to vector<16xf32>
      %broadcast_in_dim3A_50 = vector.broadcast %scan3A_47#0 : i32 to vector<16xi32>
      %bitcast3A_51 = vector.bitcast %broadcast_in_dim3A_50 : vector<16xi32> to vector<16xf32>
      %while3A_52 = arith.constant 0 : i32
      %while3A_53 = arith.constant 0 : i32
      %while3A_54 = arith.subi %shift_right_arithmetic3A_26, %while3A_52 : i32
      %while3A_55 = arith.addi %while3A_52, %while3A_54 : i32
      %while3A_56 = arith.constant 1 : i32
      %while3A_57 = arith.divsi %while3A_54, %while3A_56 : i32
      %while3A_58 = arith.muli %while3A_57, %while3A_56 : i32
      %while3A_59 = arith.addi %while3A_52, %while3A_58 : i32
      %while3A_60 = arith.constant 1 : i32
      %while3A_61:3 = scf.for %while3A_115 = %while3A_52 to %while3A_59 step %while3A_60 iter_args(%while3A_116 = %broadcast_in_dim3A_1, %while3A_117 = %broadcast_in_dim3A_3, %while3A_118 = %while3A_53) -> (vector<16xf32>, vector<16xi32>, i32)  : i32 {
        %mul3A_119 = arith.constant 128 : i32
        %mul3A_120 = arith.muli %while3A_115, %mul3A_119 : i32
        %add3A_121 = arith.constant 0 : i32
        %add3A_122 = arith.addi %mul3A_120, %add3A_121 : i32
        %get3A_123 = arith.index_cast %add3A_122 : i32 to index
        %get3A_124 = tpu.vector_load %arg5[%get3A_123] {strides = array<i32>} : memref<8192xf32, #tpu.memory_space<vmem>>, vector<16xf32>,
        %ge3A = arith.cmpf oge, %get3A_124, %bitcast3A : vector<16xf32>
        %ge3A_125 = arith.cmpf oge, %get3A_124, %bitcast3A_51 : vector<16xf32>
        %not3A = arith.constant dense<true> : vector<16xi1>
        %not3A_126 = arith.xori %ge3A, %not3A : vector<16xi1>
        %and3A = arith.andi %ge3A_125, %not3A_126 : vector<16xi1>
        %select_n3A_127 = arith.select %ge3A, %get3A_124, %broadcast_in_dim3A_1 : vector<16xi1>, vector<16xf32>
        %add3A_128 = arith.addf %while3A_116, %select_n3A_127 : vector<16xf32>
        %select_n3A_129 = arith.select %ge3A, %broadcast_in_dim3A_5, %broadcast_in_dim3A_3 : vector<16xi1>, vector<16xi32>
        %add3A_130 = arith.addi %while3A_117, %select_n3A_129 : vector<16xi32>
        %swap3A_131 = arith.index_cast %while3A_118 : i32 to index
        %swap3A_132 = tpu.vector_load %arg6[%swap3A_131] {strides = array<i32>} : memref<8192xf32, #tpu.memory_space<vmem>>, vector<16xf32>,
        tpu.vector_store %arg6[%swap3A_131], %get3A_124 {strides = array<i32>} : memref<8192xf32, #tpu.memory_space<vmem>>, vector<16xf32>,
        %all_reduce_population_count3A = tpu.all_reduce %and3A {dim = 0 : i64, kind = #tpu.reduction_kind<sum>} : vector<16xi1> -> vector<16xi32>
        %slice3A_133 = vector.extract_strided_slice %all_reduce_population_count3A {offsets = [0], sizes = [1], strides = [1]} : vector<16xi32> to vector<1xi32>
        %squeeze3A_134 = vector.extract %slice3A_133[0] : i32 from vector<1xi32>
        %gt3A = arith.constant 0 : i32
        %gt3A_135 = arith.cmpi sgt, %squeeze3A_134, %gt3A : i32
        %jit3A = arith.constant 16 : i32
        %jit3A_136 = arith.constant 0 : i32
        %select_n3A_137 = arith.select %gt3A_135, %jit3A, %jit3A_136 : i32
        %add3A_138 = arith.addi %while3A_118, %select_n3A_137 : i32
        %add3A_139 = arith.constant 16 : i32
        %add3A_140 = arith.addi %mul3A_120, %add3A_139 : i32
        %get3A_141 = arith.index_cast %add3A_140 : i32 to index
        %get3A_142 = tpu.vector_load %arg5[%get3A_141] {strides = array<i32>} : memref<8192xf32, #tpu.memory_space<vmem>>, vector<16xf32>,
        %ge3A_143 = arith.cmpf oge, %get3A_142, %bitcast3A : vector<16xf32>
        %ge3A_144 = arith.cmpf oge, %get3A_142, %bitcast3A_51 : vector<16xf32>
        %not3A_145 = arith.constant dense<true> : vector<16xi1>
        %not3A_146 = arith.xori %ge3A_143, %not3A_145 : vector<16xi1>
        %and3A_147 = arith.andi %ge3A_144, %not3A_146 : vector<16xi1>
        %select_n3A_148 = arith.select %ge3A_143, %get3A_142, %broadcast_in_dim3A_1 : vector<16xi1>, vector<16xf32>
        %add3A_149 = arith.addf %add3A_128, %select_n3A_148 : vector<16xf32>
        %select_n3A_150 = arith.select %ge3A_143, %broadcast_in_dim3A_5, %broadcast_in_dim3A_3 : vector<16xi1>, vector<16xi32>
        %add3A_151 = arith.addi %add3A_130, %select_n3A_150 : vector<16xi32>
        %swap3A_152 = arith.index_cast %add3A_138 : i32 to index
        %swap3A_153 = tpu.vector_load %arg6[%swap3A_152] {strides = array<i32>} : memref<8192xf32, #tpu.memory_space<vmem>>, vector<16xf32>,
        tpu.vector_store %arg6[%swap3A_152], %get3A_142 {strides = array<i32>} : memref<8192xf32, #tpu.memory_space<vmem>>, vector<16xf32>,
        %all_reduce_population_count3A_154 = tpu.all_reduce %and3A_147 {dim = 0 : i64, kind = #tpu.reduction_kind<sum>} : vector<16xi1> -> vector<16xi32>
        %slice3A_155 = vector.extract_strided_slice %all_reduce_population_count3A_154 {offsets = [0], sizes = [1], strides = [1]} : vector<16xi32> to vector<1xi32>
        %squeeze3A_156 = vector.extract %slice3A_155[0] : i32 from vector<1xi32>
        %gt3A_157 = arith.constant 0 : i32
        %gt3A_158 = arith.cmpi sgt, %squeeze3A_156, %gt3A_157 : i32
        %jit3A_159 = arith.constant 16 : i32
        %jit3A_160 = arith.constant 0 : i32
        %select_n3A_161 = arith.select %gt3A_158, %jit3A_159, %jit3A_160 : i32
        %add3A_162 = arith.addi %add3A_138, %select_n3A_161 : i32
        %add3A_163 = arith.constant 32 : i32
        %add3A_164 = arith.addi %mul3A_120, %add3A_163 : i32
        %get3A_165 = arith.index_cast %add3A_164 : i32 to index
        %get3A_166 = tpu.vector_load %arg5[%get3A_165] {strides = array<i32>} : memref<8192xf32, #tpu.memory_space<vmem>>, vector<16xf32>,
        %ge3A_167 = arith.cmpf oge, %get3A_166, %bitcast3A : vector<16xf32>
        %ge3A_168 = arith.cmpf oge, %get3A_166, %bitcast3A_51 : vector<16xf32>
        %not3A_169 = arith.constant dense<true> : vector<16xi1>
        %not3A_170 = arith.xori %ge3A_167, %not3A_169 : vector<16xi1>
        %and3A_171 = arith.andi %ge3A_168, %not3A_170 : vector<16xi1>
        %select_n3A_172 = arith.select %ge3A_167, %get3A_166, %broadcast_in_dim3A_1 : vector<16xi1>, vector<16xf32>
        %add3A_173 = arith.addf %add3A_149, %select_n3A_172 : vector<16xf32>
        %select_n3A_174 = arith.select %ge3A_167, %broadcast_in_dim3A_5, %broadcast_in_dim3A_3 : vector<16xi1>, vector<16xi32>
        %add3A_175 = arith.addi %add3A_151, %select_n3A_174 : vector<16xi32>
        %swap3A_176 = arith.index_cast %add3A_162 : i32 to index
        %swap3A_177 = tpu.vector_load %arg6[%swap3A_176] {strides = array<i32>} : memref<8192xf32, #tpu.memory_space<vmem>>, vector<16xf32>,
        tpu.vector_store %arg6[%swap3A_176], %get3A_166 {strides = array<i32>} : memref<8192xf32, #tpu.memory_space<vmem>>, vector<16xf32>,
        %all_reduce_population_count3A_178 = tpu.all_reduce %and3A_171 {dim = 0 : i64, kind = #tpu.reduction_kind<sum>} : vector<16xi1> -> vector<16xi32>
        %slice3A_179 = vector.extract_strided_slice %all_reduce_population_count3A_178 {offsets = [0], sizes = [1], strides = [1]} : vector<16xi32> to vector<1xi32>
        %squeeze3A_180 = vector.extract %slice3A_179[0] : i32 from vector<1xi32>
        %gt3A_181 = arith.constant 0 : i32
        %gt3A_182 = arith.cmpi sgt, %squeeze3A_180, %gt3A_181 : i32
        %jit3A_183 = arith.constant 16 : i32
        %jit3A_184 = arith.constant 0 : i32
        %select_n3A_185 = arith.select %gt3A_182, %jit3A_183, %jit3A_184 : i32
        %add3A_186 = arith.addi %add3A_162, %select_n3A_185 : i32
        %add3A_187 = arith.constant 48 : i32
        %add3A_188 = arith.addi %mul3A_120, %add3A_187 : i32
        %get3A_189 = arith.index_cast %add3A_188 : i32 to index
        %get3A_190 = tpu.vector_load %arg5[%get3A_189] {strides = array<i32>} : memref<8192xf32, #tpu.memory_space<vmem>>, vector<16xf32>,
        %ge3A_191 = arith.cmpf oge, %get3A_190, %bitcast3A : vector<16xf32>
        %ge3A_192 = arith.cmpf oge, %get3A_190, %bitcast3A_51 : vector<16xf32>
        %not3A_193 = arith.constant dense<true> : vector<16xi1>
        %not3A_194 = arith.xori %ge3A_191, %not3A_193 : vector<16xi1>
        %and3A_195 = arith.andi %ge3A_192, %not3A_194 : vector<16xi1>
        %select_n3A_196 = arith.select %ge3A_191, %get3A_190, %broadcast_in_dim3A_1 : vector<16xi1>, vector<16xf32>
        %add3A_197 = arith.addf %add3A_173, %select_n3A_196 : vector<16xf32>
        %select_n3A_198 = arith.select %ge3A_191, %broadcast_in_dim3A_5, %broadcast_in_dim3A_3 : vector<16xi1>, vector<16xi32>
        %add3A_199 = arith.addi %add3A_175, %select_n3A_198 : vector<16xi32>
        %swap3A_200 = arith.index_cast %add3A_186 : i32 to index
        %swap3A_201 = tpu.vector_load %arg6[%swap3A_200] {strides = array<i32>} : memref<8192xf32, #tpu.memory_space<vmem>>, vector<16xf32>,
        tpu.vector_store %arg6[%swap3A_200], %get3A_190 {strides = array<i32>} : memref<8192xf32, #tpu.memory_space<vmem>>, vector<16xf32>,
        %all_reduce_population_count3A_202 = tpu.all_reduce %and3A_195 {dim = 0 : i64, kind = #tpu.reduction_kind<sum>} : vector<16xi1> -> vector<16xi32>
        %slice3A_203 = vector.extract_strided_slice %all_reduce_population_count3A_202 {offsets = [0], sizes = [1], strides = [1]} : vector<16xi32> to vector<1xi32>
        %squeeze3A_204 = vector.extract %slice3A_203[0] : i32 from vector<1xi32>
        %gt3A_205 = arith.constant 0 : i32
        %gt3A_206 = arith.cmpi sgt, %squeeze3A_204, %gt3A_205 : i32
        %jit3A_207 = arith.constant 16 : i32
        %jit3A_208 = arith.constant 0 : i32
        %select_n3A_209 = arith.select %gt3A_206, %jit3A_207, %jit3A_208 : i32
        %add3A_210 = arith.addi %add3A_186, %select_n3A_209 : i32
        %add3A_211 = arith.constant 64 : i32
        %add3A_212 = arith.addi %mul3A_120, %add3A_211 : i32
        %get3A_213 = arith.index_cast %add3A_212 : i32 to index
        %get3A_214 = tpu.vector_load %arg5[%get3A_213] {strides = array<i32>} : memref<8192xf32, #tpu.memory_space<vmem>>, vector<16xf32>,
        %ge3A_215 = arith.cmpf oge, %get3A_214, %bitcast3A : vector<16xf32>
        %ge3A_216 = arith.cmpf oge, %get3A_214, %bitcast3A_51 : vector<16xf32>
        %not3A_217 = arith.constant dense<true> : vector<16xi1>
        %not3A_218 = arith.xori %ge3A_215, %not3A_217 : vector<16xi1>
        %and3A_219 = arith.andi %ge3A_216, %not3A_218 : vector<16xi1>
        %select_n3A_220 = arith.select %ge3A_215, %get3A_214, %broadcast_in_dim3A_1 : vector<16xi1>, vector<16xf32>
        %add3A_221 = arith.addf %add3A_197, %select_n3A_220 : vector<16xf32>
        %select_n3A_222 = arith.select %ge3A_215, %broadcast_in_dim3A_5, %broadcast_in_dim3A_3 : vector<16xi1>, vector<16xi32>
        %add3A_223 = arith.addi %add3A_199, %select_n3A_222 : vector<16xi32>
        %swap3A_224 = arith.index_cast %add3A_210 : i32 to index
        %swap3A_225 = tpu.vector_load %arg6[%swap3A_224] {strides = array<i32>} : memref<8192xf32, #tpu.memory_space<vmem>>, vector<16xf32>,
        tpu.vector_store %arg6[%swap3A_224], %get3A_214 {strides = array<i32>} : memref<8192xf32, #tpu.memory_space<vmem>>, vector<16xf32>,
        %all_reduce_population_count3A_226 = tpu.all_reduce %and3A_219 {dim = 0 : i64, kind = #tpu.reduction_kind<sum>} : vector<16xi1> -> vector<16xi32>
        %slice3A_227 = vector.extract_strided_slice %all_reduce_population_count3A_226 {offsets = [0], sizes = [1], strides = [1]} : vector<16xi32> to vector<1xi32>
        %squeeze3A_228 = vector.extract %slice3A_227[0] : i32 from vector<1xi32>
        %gt3A_229 = arith.constant 0 : i32
        %gt3A_230 = arith.cmpi sgt, %squeeze3A_228, %gt3A_229 : i32
        %jit3A_231 = arith.constant 16 : i32
        %jit3A_232 = arith.constant 0 : i32
        %select_n3A_233 = arith.select %gt3A_230, %jit3A_231, %jit3A_232 : i32
        %add3A_234 = arith.addi %add3A_210, %select_n3A_233 : i32
        %add3A_235 = arith.constant 80 : i32
        %add3A_236 = arith.addi %mul3A_120, %add3A_235 : i32
        %get3A_237 = arith.index_cast %add3A_236 : i32 to index
        %get3A_238 = tpu.vector_load %arg5[%get3A_237] {strides = array<i32>} : memref<8192xf32, #tpu.memory_space<vmem>>, vector<16xf32>,
        %ge3A_239 = arith.cmpf oge, %get3A_238, %bitcast3A : vector<16xf32>
        %ge3A_240 = arith.cmpf oge, %get3A_238, %bitcast3A_51 : vector<16xf32>
        %not3A_241 = arith.constant dense<true> : vector<16xi1>
        %not3A_242 = arith.xori %ge3A_239, %not3A_241 : vector<16xi1>
        %and3A_243 = arith.andi %ge3A_240, %not3A_242 : vector<16xi1>
        %select_n3A_244 = arith.select %ge3A_239, %get3A_238, %broadcast_in_dim3A_1 : vector<16xi1>, vector<16xf32>
        %add3A_245 = arith.addf %add3A_221, %select_n3A_244 : vector<16xf32>
        %select_n3A_246 = arith.select %ge3A_239, %broadcast_in_dim3A_5, %broadcast_in_dim3A_3 : vector<16xi1>, vector<16xi32>
        %add3A_247 = arith.addi %add3A_223, %select_n3A_246 : vector<16xi32>
        %swap3A_248 = arith.index_cast %add3A_234 : i32 to index
        %swap3A_249 = tpu.vector_load %arg6[%swap3A_248] {strides = array<i32>} : memref<8192xf32, #tpu.memory_space<vmem>>, vector<16xf32>,
        tpu.vector_store %arg6[%swap3A_248], %get3A_238 {strides = array<i32>} : memref<8192xf32, #tpu.memory_space<vmem>>, vector<16xf32>,
        %all_reduce_population_count3A_250 = tpu.all_reduce %and3A_243 {dim = 0 : i64, kind = #tpu.reduction_kind<sum>} : vector<16xi1> -> vector<16xi32>
        %slice3A_251 = vector.extract_strided_slice %all_reduce_population_count3A_250 {offsets = [0], sizes = [1], strides = [1]} : vector<16xi32> to vector<1xi32>
        %squeeze3A_252 = vector.extract %slice3A_251[0] : i32 from vector<1xi32>
        %gt3A_253 = arith.constant 0 : i32
        %gt3A_254 = arith.cmpi sgt, %squeeze3A_252, %gt3A_253 : i32
        %jit3A_255 = arith.constant 16 : i32
        %jit3A_256 = arith.constant 0 : i32
        %select_n3A_257 = arith.select %gt3A_254, %jit3A_255, %jit3A_256 : i32
        %add3A_258 = arith.addi %add3A_234, %select_n3A_257 : i32
        %add3A_259 = arith.constant 96 : i32
        %add3A_260 = arith.addi %mul3A_120, %add3A_259 : i32
        %get3A_261 = arith.index_cast %add3A_260 : i32 to index
        %get3A_262 = tpu.vector_load %arg5[%get3A_261] {strides = array<i32>} : memref<8192xf32, #tpu.memory_space<vmem>>, vector<16xf32>,
        %ge3A_263 = arith.cmpf oge, %get3A_262, %bitcast3A : vector<16xf32>
        %ge3A_264 = arith.cmpf oge, %get3A_262, %bitcast3A_51 : vector<16xf32>
        %not3A_265 = arith.constant dense<true> : vector<16xi1>
        %not3A_266 = arith.xori %ge3A_263, %not3A_265 : vector<16xi1>
        %and3A_267 = arith.andi %ge3A_264, %not3A_266 : vector<16xi1>
        %select_n3A_268 = arith.select %ge3A_263, %get3A_262, %broadcast_in_dim3A_1 : vector<16xi1>, vector<16xf32>
        %add3A_269 = arith.addf %add3A_245, %select_n3A_268 : vector<16xf32>
        %select_n3A_270 = arith.select %ge3A_263, %broadcast_in_dim3A_5, %broadcast_in_dim3A_3 : vector<16xi1>, vector<16xi32>
        %add3A_271 = arith.addi %add3A_247, %select_n3A_270 : vector<16xi32>
        %swap3A_272 = arith.index_cast %add3A_258 : i32 to index
        %swap3A_273 = tpu.vector_load %arg6[%swap3A_272] {strides = array<i32>} : memref<8192xf32, #tpu.memory_space<vmem>>, vector<16xf32>,
        tpu.vector_store %arg6[%swap3A_272], %get3A_262 {strides = array<i32>} : memref<8192xf32, #tpu.memory_space<vmem>>, vector<16xf32>,
        %all_reduce_population_count3A_274 = tpu.all_reduce %and3A_267 {dim = 0 : i64, kind = #tpu.reduction_kind<sum>} : vector<16xi1> -> vector<16xi32>
        %slice3A_275 = vector.extract_strided_slice %all_reduce_population_count3A_274 {offsets = [0], sizes = [1], strides = [1]} : vector<16xi32> to vector<1xi32>
        %squeeze3A_276 = vector.extract %slice3A_275[0] : i32 from vector<1xi32>
        %gt3A_277 = arith.constant 0 : i32
        %gt3A_278 = arith.cmpi sgt, %squeeze3A_276, %gt3A_277 : i32
        %jit3A_279 = arith.constant 16 : i32
        %jit3A_280 = arith.constant 0 : i32
        %select_n3A_281 = arith.select %gt3A_278, %jit3A_279, %jit3A_280 : i32
        %add3A_282 = arith.addi %add3A_258, %select_n3A_281 : i32
        %add3A_283 = arith.constant 112 : i32
        %add3A_284 = arith.addi %mul3A_120, %add3A_283 : i32
        %get3A_285 = arith.index_cast %add3A_284 : i32 to index
        %get3A_286 = tpu.vector_load %arg5[%get3A_285] {strides = array<i32>} : memref<8192xf32, #tpu.memory_space<vmem>>, vector<16xf32>,
        %ge3A_287 = arith.cmpf oge, %get3A_286, %bitcast3A : vector<16xf32>
        %ge3A_288 = arith.cmpf oge, %get3A_286, %bitcast3A_51 : vector<16xf32>
        %not3A_289 = arith.constant dense<true> : vector<16xi1>
        %not3A_290 = arith.xori %ge3A_287, %not3A_289 : vector<16xi1>
        %and3A_291 = arith.andi %ge3A_288, %not3A_290 : vector<16xi1>
        %select_n3A_292 = arith.select %ge3A_287, %get3A_286, %broadcast_in_dim3A_1 : vector<16xi1>, vector<16xf32>
        %add3A_293 = arith.addf %add3A_269, %select_n3A_292 : vector<16xf32>
        %select_n3A_294 = arith.select %ge3A_287, %broadcast_in_dim3A_5, %broadcast_in_dim3A_3 : vector<16xi1>, vector<16xi32>
        %add3A_295 = arith.addi %add3A_271, %select_n3A_294 : vector<16xi32>
        %swap3A_296 = arith.index_cast %add3A_282 : i32 to index
        %swap3A_297 = tpu.vector_load %arg6[%swap3A_296] {strides = array<i32>} : memref<8192xf32, #tpu.memory_space<vmem>>, vector<16xf32>,
        tpu.vector_store %arg6[%swap3A_296], %get3A_286 {strides = array<i32>} : memref<8192xf32, #tpu.memory_space<vmem>>, vector<16xf32>,
        %all_reduce_population_count3A_298 = tpu.all_reduce %and3A_291 {dim = 0 : i64, kind = #tpu.reduction_kind<sum>} : vector<16xi1> -> vector<16xi32>
        %slice3A_299 = vector.extract_strided_slice %all_reduce_population_count3A_298 {offsets = [0], sizes = [1], strides = [1]} : vector<16xi32> to vector<1xi32>
        %squeeze3A_300 = vector.extract %slice3A_299[0] : i32 from vector<1xi32>
        %gt3A_301 = arith.constant 0 : i32
        %gt3A_302 = arith.cmpi sgt, %squeeze3A_300, %gt3A_301 : i32
        %jit3A_303 = arith.constant 16 : i32
        %jit3A_304 = arith.constant 0 : i32
        %select_n3A_305 = arith.select %gt3A_302, %jit3A_303, %jit3A_304 : i32
        %add3A_306 = arith.addi %add3A_282, %select_n3A_305 : i32
        scf.yield %add3A_293, %add3A_295, %add3A_306 : vector<16xf32>, vector<16xi32>, i32
      }
      %while3A_62 = arith.constant 1 : i32
      %while3A_63:3 = scf.for %while3A_115 = %while3A_59 to %while3A_55 step %while3A_62 iter_args(%while3A_116 = %while3A_61#0, %while3A_117 = %while3A_61#1, %while3A_118 = %while3A_61#2) -> (vector<16xf32>, vector<16xi32>, i32)  : i32 {
        %mul3A_119 = arith.constant 128 : i32
        %mul3A_120 = arith.muli %while3A_115, %mul3A_119 : i32
        %add3A_121 = arith.constant 0 : i32
        %add3A_122 = arith.addi %mul3A_120, %add3A_121 : i32
        %get3A_123 = arith.index_cast %add3A_122 : i32 to index
        %get3A_124 = tpu.vector_load %arg5[%get3A_123] {strides = array<i32>} : memref<8192xf32, #tpu.memory_space<vmem>>, vector<16xf32>,
        %ge3A = arith.cmpf oge, %get3A_124, %bitcast3A : vector<16xf32>
        %ge3A_125 = arith.cmpf oge, %get3A_124, %bitcast3A_51 : vector<16xf32>
        %not3A = arith.constant dense<true> : vector<16xi1>
        %not3A_126 = arith.xori %ge3A, %not3A : vector<16xi1>
        %and3A = arith.andi %ge3A_125, %not3A_126 : vector<16xi1>
        %select_n3A_127 = arith.select %ge3A, %get3A_124, %broadcast_in_dim3A_1 : vector<16xi1>, vector<16xf32>
        %add3A_128 = arith.addf %while3A_116, %select_n3A_127 : vector<16xf32>
        %select_n3A_129 = arith.select %ge3A, %broadcast_in_dim3A_5, %broadcast_in_dim3A_3 : vector<16xi1>, vector<16xi32>
        %add3A_130 = arith.addi %while3A_117, %select_n3A_129 : vector<16xi32>
        %swap3A_131 = arith.index_cast %while3A_118 : i32 to index
        %swap3A_132 = tpu.vector_load %arg6[%swap3A_131] {strides = array<i32>} : memref<8192xf32, #tpu.memory_space<vmem>>, vector<16xf32>,
        tpu.vector_store %arg6[%swap3A_131], %get3A_124 {strides = array<i32>} : memref<8192xf32, #tpu.memory_space<vmem>>, vector<16xf32>,
        %all_reduce_population_count3A = tpu.all_reduce %and3A {dim = 0 : i64, kind = #tpu.reduction_kind<sum>} : vector<16xi1> -> vector<16xi32>
        %slice3A_133 = vector.extract_strided_slice %all_reduce_population_count3A {offsets = [0], sizes = [1], strides = [1]} : vector<16xi32> to vector<1xi32>
        %squeeze3A_134 = vector.extract %slice3A_133[0] : i32 from vector<1xi32>
        %gt3A = arith.constant 0 : i32
        %gt3A_135 = arith.cmpi sgt, %squeeze3A_134, %gt3A : i32
        %jit3A = arith.constant 16 : i32
        %jit3A_136 = arith.constant 0 : i32
        %select_n3A_137 = arith.select %gt3A_135, %jit3A, %jit3A_136 : i32
        %add3A_138 = arith.addi %while3A_118, %select_n3A_137 : i32
        %add3A_139 = arith.constant 16 : i32
        %add3A_140 = arith.addi %mul3A_120, %add3A_139 : i32
        %get3A_141 = arith.index_cast %add3A_140 : i32 to index
        %get3A_142 = tpu.vector_load %arg5[%get3A_141] {strides = array<i32>} : memref<8192xf32, #tpu.memory_space<vmem>>, vector<16xf32>,
        %ge3A_143 = arith.cmpf oge, %get3A_142, %bitcast3A : vector<16xf32>
        %ge3A_144 = arith.cmpf oge, %get3A_142, %bitcast3A_51 : vector<16xf32>
        %not3A_145 = arith.constant dense<true> : vector<16xi1>
        %not3A_146 = arith.xori %ge3A_143, %not3A_145 : vector<16xi1>
        %and3A_147 = arith.andi %ge3A_144, %not3A_146 : vector<16xi1>
        %select_n3A_148 = arith.select %ge3A_143, %get3A_142, %broadcast_in_dim3A_1 : vector<16xi1>, vector<16xf32>
        %add3A_149 = arith.addf %add3A_128, %select_n3A_148 : vector<16xf32>
        %select_n3A_150 = arith.select %ge3A_143, %broadcast_in_dim3A_5, %broadcast_in_dim3A_3 : vector<16xi1>, vector<16xi32>
        %add3A_151 = arith.addi %add3A_130, %select_n3A_150 : vector<16xi32>
        %swap3A_152 = arith.index_cast %add3A_138 : i32 to index
        %swap3A_153 = tpu.vector_load %arg6[%swap3A_152] {strides = array<i32>} : memref<8192xf32, #tpu.memory_space<vmem>>, vector<16xf32>,
        tpu.vector_store %arg6[%swap3A_152], %get3A_142 {strides = array<i32>} : memref<8192xf32, #tpu.memory_space<vmem>>, vector<16xf32>,
        %all_reduce_population_count3A_154 = tpu.all_reduce %and3A_147 {dim = 0 : i64, kind = #tpu.reduction_kind<sum>} : vector<16xi1> -> vector<16xi32>
        %slice3A_155 = vector.extract_strided_slice %all_reduce_population_count3A_154 {offsets = [0], sizes = [1], strides = [1]} : vector<16xi32> to vector<1xi32>
        %squeeze3A_156 = vector.extract %slice3A_155[0] : i32 from vector<1xi32>
        %gt3A_157 = arith.constant 0 : i32
        %gt3A_158 = arith.cmpi sgt, %squeeze3A_156, %gt3A_157 : i32
        %jit3A_159 = arith.constant 16 : i32
        %jit3A_160 = arith.constant 0 : i32
        %select_n3A_161 = arith.select %gt3A_158, %jit3A_159, %jit3A_160 : i32
        %add3A_162 = arith.addi %add3A_138, %select_n3A_161 : i32
        %add3A_163 = arith.constant 32 : i32
        %add3A_164 = arith.addi %mul3A_120, %add3A_163 : i32
        %get3A_165 = arith.index_cast %add3A_164 : i32 to index
        %get3A_166 = tpu.vector_load %arg5[%get3A_165] {strides = array<i32>} : memref<8192xf32, #tpu.memory_space<vmem>>, vector<16xf32>,
        %ge3A_167 = arith.cmpf oge, %get3A_166, %bitcast3A : vector<16xf32>
        %ge3A_168 = arith.cmpf oge, %get3A_166, %bitcast3A_51 : vector<16xf32>
        %not3A_169 = arith.constant dense<true> : vector<16xi1>
        %not3A_170 = arith.xori %ge3A_167, %not3A_169 : vector<16xi1>
        %and3A_171 = arith.andi %ge3A_168, %not3A_170 : vector<16xi1>
        %select_n3A_172 = arith.select %ge3A_167, %get3A_166, %broadcast_in_dim3A_1 : vector<16xi1>, vector<16xf32>
        %add3A_173 = arith.addf %add3A_149, %select_n3A_172 : vector<16xf32>
        %select_n3A_174 = arith.select %ge3A_167, %broadcast_in_dim3A_5, %broadcast_in_dim3A_3 : vector<16xi1>, vector<16xi32>
        %add3A_175 = arith.addi %add3A_151, %select_n3A_174 : vector<16xi32>
        %swap3A_176 = arith.index_cast %add3A_162 : i32 to index
        %swap3A_177 = tpu.vector_load %arg6[%swap3A_176] {strides = array<i32>} : memref<8192xf32, #tpu.memory_space<vmem>>, vector<16xf32>,
        tpu.vector_store %arg6[%swap3A_176], %get3A_166 {strides = array<i32>} : memref<8192xf32, #tpu.memory_space<vmem>>, vector<16xf32>,
        %all_reduce_population_count3A_178 = tpu.all_reduce %and3A_171 {dim = 0 : i64, kind = #tpu.reduction_kind<sum>} : vector<16xi1> -> vector<16xi32>
        %slice3A_179 = vector.extract_strided_slice %all_reduce_population_count3A_178 {offsets = [0], sizes = [1], strides = [1]} : vector<16xi32> to vector<1xi32>
        %squeeze3A_180 = vector.extract %slice3A_179[0] : i32 from vector<1xi32>
        %gt3A_181 = arith.constant 0 : i32
        %gt3A_182 = arith.cmpi sgt, %squeeze3A_180, %gt3A_181 : i32
        %jit3A_183 = arith.constant 16 : i32
        %jit3A_184 = arith.constant 0 : i32
        %select_n3A_185 = arith.select %gt3A_182, %jit3A_183, %jit3A_184 : i32
        %add3A_186 = arith.addi %add3A_162, %select_n3A_185 : i32
        %add3A_187 = arith.constant 48 : i32
        %add3A_188 = arith.addi %mul3A_120, %add3A_187 : i32
        %get3A_189 = arith.index_cast %add3A_188 : i32 to index
        %get3A_190 = tpu.vector_load %arg5[%get3A_189] {strides = array<i32>} : memref<8192xf32, #tpu.memory_space<vmem>>, vector<16xf32>,
        %ge3A_191 = arith.cmpf oge, %get3A_190, %bitcast3A : vector<16xf32>
        %ge3A_192 = arith.cmpf oge, %get3A_190, %bitcast3A_51 : vector<16xf32>
        %not3A_193 = arith.constant dense<true> : vector<16xi1>
        %not3A_194 = arith.xori %ge3A_191, %not3A_193 : vector<16xi1>
        %and3A_195 = arith.andi %ge3A_192, %not3A_194 : vector<16xi1>
        %select_n3A_196 = arith.select %ge3A_191, %get3A_190, %broadcast_in_dim3A_1 : vector<16xi1>, vector<16xf32>
        %add3A_197 = arith.addf %add3A_173, %select_n3A_196 : vector<16xf32>
        %select_n3A_198 = arith.select %ge3A_191, %broadcast_in_dim3A_5, %broadcast_in_dim3A_3 : vector<16xi1>, vector<16xi32>
        %add3A_199 = arith.addi %add3A_175, %select_n3A_198 : vector<16xi32>
        %swap3A_200 = arith.index_cast %add3A_186 : i32 to index
        %swap3A_201 = tpu.vector_load %arg6[%swap3A_200] {strides = array<i32>} : memref<8192xf32, #tpu.memory_space<vmem>>, vector<16xf32>,
        tpu.vector_store %arg6[%swap3A_200], %get3A_190 {strides = array<i32>} : memref<8192xf32, #tpu.memory_space<vmem>>, vector<16xf32>,
        %all_reduce_population_count3A_202 = tpu.all_reduce %and3A_195 {dim = 0 : i64, kind = #tpu.reduction_kind<sum>} : vector<16xi1> -> vector<16xi32>
        %slice3A_203 = vector.extract_strided_slice %all_reduce_population_count3A_202 {offsets = [0], sizes = [1], strides = [1]} : vector<16xi32> to vector<1xi32>
        %squeeze3A_204 = vector.extract %slice3A_203[0] : i32 from vector<1xi32>
        %gt3A_205 = arith.constant 0 : i32
        %gt3A_206 = arith.cmpi sgt, %squeeze3A_204, %gt3A_205 : i32
        %jit3A_207 = arith.constant 16 : i32
        %jit3A_208 = arith.constant 0 : i32
        %select_n3A_209 = arith.select %gt3A_206, %jit3A_207, %jit3A_208 : i32
        %add3A_210 = arith.addi %add3A_186, %select_n3A_209 : i32
        %add3A_211 = arith.constant 64 : i32
        %add3A_212 = arith.addi %mul3A_120, %add3A_211 : i32
        %get3A_213 = arith.index_cast %add3A_212 : i32 to index
        %get3A_214 = tpu.vector_load %arg5[%get3A_213] {strides = array<i32>} : memref<8192xf32, #tpu.memory_space<vmem>>, vector<16xf32>,
        %ge3A_215 = arith.cmpf oge, %get3A_214, %bitcast3A : vector<16xf32>
        %ge3A_216 = arith.cmpf oge, %get3A_214, %bitcast3A_51 : vector<16xf32>
        %not3A_217 = arith.constant dense<true> : vector<16xi1>
        %not3A_218 = arith.xori %ge3A_215, %not3A_217 : vector<16xi1>
        %and3A_219 = arith.andi %ge3A_216, %not3A_218 : vector<16xi1>
        %select_n3A_220 = arith.select %ge3A_215, %get3A_214, %broadcast_in_dim3A_1 : vector<16xi1>, vector<16xf32>
        %add3A_221 = arith.addf %add3A_197, %select_n3A_220 : vector<16xf32>
        %select_n3A_222 = arith.select %ge3A_215, %broadcast_in_dim3A_5, %broadcast_in_dim3A_3 : vector<16xi1>, vector<16xi32>
        %add3A_223 = arith.addi %add3A_199, %select_n3A_222 : vector<16xi32>
        %swap3A_224 = arith.index_cast %add3A_210 : i32 to index
        %swap3A_225 = tpu.vector_load %arg6[%swap3A_224] {strides = array<i32>} : memref<8192xf32, #tpu.memory_space<vmem>>, vector<16xf32>,
        tpu.vector_store %arg6[%swap3A_224], %get3A_214 {strides = array<i32>} : memref<8192xf32, #tpu.memory_space<vmem>>, vector<16xf32>,
        %all_reduce_population_count3A_226 = tpu.all_reduce %and3A_219 {dim = 0 : i64, kind = #tpu.reduction_kind<sum>} : vector<16xi1> -> vector<16xi32>
        %slice3A_227 = vector.extract_strided_slice %all_reduce_population_count3A_226 {offsets = [0], sizes = [1], strides = [1]} : vector<16xi32> to vector<1xi32>
        %squeeze3A_228 = vector.extract %slice3A_227[0] : i32 from vector<1xi32>
        %gt3A_229 = arith.constant 0 : i32
        %gt3A_230 = arith.cmpi sgt, %squeeze3A_228, %gt3A_229 : i32
        %jit3A_231 = arith.constant 16 : i32
        %jit3A_232 = arith.constant 0 : i32
        %select_n3A_233 = arith.select %gt3A_230, %jit3A_231, %jit3A_232 : i32
        %add3A_234 = arith.addi %add3A_210, %select_n3A_233 : i32
        %add3A_235 = arith.constant 80 : i32
        %add3A_236 = arith.addi %mul3A_120, %add3A_235 : i32
        %get3A_237 = arith.index_cast %add3A_236 : i32 to index
        %get3A_238 = tpu.vector_load %arg5[%get3A_237] {strides = array<i32>} : memref<8192xf32, #tpu.memory_space<vmem>>, vector<16xf32>,
        %ge3A_239 = arith.cmpf oge, %get3A_238, %bitcast3A : vector<16xf32>
        %ge3A_240 = arith.cmpf oge, %get3A_238, %bitcast3A_51 : vector<16xf32>
        %not3A_241 = arith.constant dense<true> : vector<16xi1>
        %not3A_242 = arith.xori %ge3A_239, %not3A_241 : vector<16xi1>
        %and3A_243 = arith.andi %ge3A_240, %not3A_242 : vector<16xi1>
        %select_n3A_244 = arith.select %ge3A_239, %get3A_238, %broadcast_in_dim3A_1 : vector<16xi1>, vector<16xf32>
        %add3A_245 = arith.addf %add3A_221, %select_n3A_244 : vector<16xf32>
        %select_n3A_246 = arith.select %ge3A_239, %broadcast_in_dim3A_5, %broadcast_in_dim3A_3 : vector<16xi1>, vector<16xi32>
        %add3A_247 = arith.addi %add3A_223, %select_n3A_246 : vector<16xi32>
        %swap3A_248 = arith.index_cast %add3A_234 : i32 to index
        %swap3A_249 = tpu.vector_load %arg6[%swap3A_248] {strides = array<i32>} : memref<8192xf32, #tpu.memory_space<vmem>>, vector<16xf32>,
        tpu.vector_store %arg6[%swap3A_248], %get3A_238 {strides = array<i32>} : memref<8192xf32, #tpu.memory_space<vmem>>, vector<16xf32>,
        %all_reduce_population_count3A_250 = tpu.all_reduce %and3A_243 {dim = 0 : i64, kind = #tpu.reduction_kind<sum>} : vector<16xi1> -> vector<16xi32>
        %slice3A_251 = vector.extract_strided_slice %all_reduce_population_count3A_250 {offsets = [0], sizes = [1], strides = [1]} : vector<16xi32> to vector<1xi32>
        %squeeze3A_252 = vector.extract %slice3A_251[0] : i32 from vector<1xi32>
        %gt3A_253 = arith.constant 0 : i32
        %gt3A_254 = arith.cmpi sgt, %squeeze3A_252, %gt3A_253 : i32
        %jit3A_255 = arith.constant 16 : i32
        %jit3A_256 = arith.constant 0 : i32
        %select_n3A_257 = arith.select %gt3A_254, %jit3A_255, %jit3A_256 : i32
        %add3A_258 = arith.addi %add3A_234, %select_n3A_257 : i32
        %add3A_259 = arith.constant 96 : i32
        %add3A_260 = arith.addi %mul3A_120, %add3A_259 : i32
        %get3A_261 = arith.index_cast %add3A_260 : i32 to index
        %get3A_262 = tpu.vector_load %arg5[%get3A_261] {strides = array<i32>} : memref<8192xf32, #tpu.memory_space<vmem>>, vector<16xf32>,
        %ge3A_263 = arith.cmpf oge, %get3A_262, %bitcast3A : vector<16xf32>
        %ge3A_264 = arith.cmpf oge, %get3A_262, %bitcast3A_51 : vector<16xf32>
        %not3A_265 = arith.constant dense<true> : vector<16xi1>
        %not3A_266 = arith.xori %ge3A_263, %not3A_265 : vector<16xi1>
        %and3A_267 = arith.andi %ge3A_264, %not3A_266 : vector<16xi1>
        %select_n3A_268 = arith.select %ge3A_263, %get3A_262, %broadcast_in_dim3A_1 : vector<16xi1>, vector<16xf32>
        %add3A_269 = arith.addf %add3A_245, %select_n3A_268 : vector<16xf32>
        %select_n3A_270 = arith.select %ge3A_263, %broadcast_in_dim3A_5, %broadcast_in_dim3A_3 : vector<16xi1>, vector<16xi32>
        %add3A_271 = arith.addi %add3A_247, %select_n3A_270 : vector<16xi32>
        %swap3A_272 = arith.index_cast %add3A_258 : i32 to index
        %swap3A_273 = tpu.vector_load %arg6[%swap3A_272] {strides = array<i32>} : memref<8192xf32, #tpu.memory_space<vmem>>, vector<16xf32>,
        tpu.vector_store %arg6[%swap3A_272], %get3A_262 {strides = array<i32>} : memref<8192xf32, #tpu.memory_space<vmem>>, vector<16xf32>,
        %all_reduce_population_count3A_274 = tpu.all_reduce %and3A_267 {dim = 0 : i64, kind = #tpu.reduction_kind<sum>} : vector<16xi1> -> vector<16xi32>
        %slice3A_275 = vector.extract_strided_slice %all_reduce_population_count3A_274 {offsets = [0], sizes = [1], strides = [1]} : vector<16xi32> to vector<1xi32>
        %squeeze3A_276 = vector.extract %slice3A_275[0] : i32 from vector<1xi32>
        %gt3A_277 = arith.constant 0 : i32
        %gt3A_278 = arith.cmpi sgt, %squeeze3A_276, %gt3A_277 : i32
        %jit3A_279 = arith.constant 16 : i32
        %jit3A_280 = arith.constant 0 : i32
        %select_n3A_281 = arith.select %gt3A_278, %jit3A_279, %jit3A_280 : i32
        %add3A_282 = arith.addi %add3A_258, %select_n3A_281 : i32
        %add3A_283 = arith.constant 112 : i32
        %add3A_284 = arith.addi %mul3A_120, %add3A_283 : i32
        %get3A_285 = arith.index_cast %add3A_284 : i32 to index
        %get3A_286 = tpu.vector_load %arg5[%get3A_285] {strides = array<i32>} : memref<8192xf32, #tpu.memory_space<vmem>>, vector<16xf32>,
        %ge3A_287 = arith.cmpf oge, %get3A_286, %bitcast3A : vector<16xf32>
        %ge3A_288 = arith.cmpf oge, %get3A_286, %bitcast3A_51 : vector<16xf32>
        %not3A_289 = arith.constant dense<true> : vector<16xi1>
        %not3A_290 = arith.xori %ge3A_287, %not3A_289 : vector<16xi1>
        %and3A_291 = arith.andi %ge3A_288, %not3A_290 : vector<16xi1>
        %select_n3A_292 = arith.select %ge3A_287, %get3A_286, %broadcast_in_dim3A_1 : vector<16xi1>, vector<16xf32>
        %add3A_293 = arith.addf %add3A_269, %select_n3A_292 : vector<16xf32>
        %select_n3A_294 = arith.select %ge3A_287, %broadcast_in_dim3A_5, %broadcast_in_dim3A_3 : vector<16xi1>, vector<16xi32>
        %add3A_295 = arith.addi %add3A_271, %select_n3A_294 : vector<16xi32>
        %swap3A_296 = arith.index_cast %add3A_282 : i32 to index
        %swap3A_297 = tpu.vector_load %arg6[%swap3A_296] {strides = array<i32>} : memref<8192xf32, #tpu.memory_space<vmem>>, vector<16xf32>,
        tpu.vector_store %arg6[%swap3A_296], %get3A_286 {strides = array<i32>} : memref<8192xf32, #tpu.memory_space<vmem>>, vector<16xf32>,
        %all_reduce_population_count3A_298 = tpu.all_reduce %and3A_291 {dim = 0 : i64, kind = #tpu.reduction_kind<sum>} : vector<16xi1> -> vector<16xi32>
        %slice3A_299 = vector.extract_strided_slice %all_reduce_population_count3A_298 {offsets = [0], sizes = [1], strides = [1]} : vector<16xi32> to vector<1xi32>
        %squeeze3A_300 = vector.extract %slice3A_299[0] : i32 from vector<1xi32>
        %gt3A_301 = arith.constant 0 : i32
        %gt3A_302 = arith.cmpi sgt, %squeeze3A_300, %gt3A_301 : i32
        %jit3A_303 = arith.constant 16 : i32
        %jit3A_304 = arith.constant 0 : i32
        %select_n3A_305 = arith.select %gt3A_302, %jit3A_303, %jit3A_304 : i32
        %add3A_306 = arith.addi %add3A_282, %select_n3A_305 : i32
        scf.yield %add3A_293, %add3A_295, %add3A_306 : vector<16xf32>, vector<16xi32>, i32
      }
      %reduce_sum3A = arith.constant true
      %reduce_sum3A_64 = vector.broadcast %reduce_sum3A : i1 to vector<16xi1>
      %reduce_sum3A_65 = tpu.scan <sum>, %while3A_63#0 masked %reduce_sum3A_64 : vector<16xf32>, vector<16xi1> -> vector<16xf32>
      %reduce_sum3A_66 = vector.extract %reduce_sum3A_65[15] : f32 from vector<16xf32>
      %reduce_sum3A_67 = arith.constant true
      %reduce_sum3A_68 = vector.broadcast %reduce_sum3A_67 : i1 to vector<16xi1>
      %reduce_sum3A_69 = tpu.scan <sum>, %while3A_63#1 masked %reduce_sum3A_68 : vector<16xi32>, vector<16xi1> -> vector<16xi32>
      %reduce_sum3A_70 = vector.extract %reduce_sum3A_69[15] : i32 from vector<16xi32>
      %shift_right_arithmetic3A_71 = arith.constant 4 : i32
      %shift_right_arithmetic3A_72 = arith.shrsi %while3A_63#2, %shift_right_arithmetic3A_71 : i32
      %scan3A_73 = arith.constant 0 : i32
      %scan3A_74 = arith.constant 18 : i32
      %scan3A_75 = arith.addi %scan3A_73, %scan3A_74 : i32
      %scan3A_76 = arith.constant 1 : i32
      %scan3A_77:2 = scf.for %scan3A_115 = %scan3A_73 to %scan3A_75 step %scan3A_76 iter_args(%scan3A_116 = %scan3A_47#0, %scan3A_117 = %scan3A_47#1) -> (i32, i32)  : i32 {
        %add3A_118 = arith.addi %scan3A_116, %scan3A_117 : i32
        %shift_right_arithmetic3A_119 = arith.constant 1 : i32
        %shift_right_arithmetic3A_120 = arith.shrsi %add3A_118, %shift_right_arithmetic3A_119 : i32
        %broadcast_in_dim3A_121 = vector.broadcast %shift_right_arithmetic3A_120 : i32 to vector<16xi32>
        %bitcast3A_122 = vector.bitcast %broadcast_in_dim3A_121 : vector<16xi32> to vector<16xf32>
        %while3A_123 = arith.constant 0 : i32
        %while3A_124 = arith.subi %shift_right_arithmetic3A_72, %while3A_123 : i32
        %while3A_125 = arith.addi %while3A_123, %while3A_124 : i32
        %while3A_126 = arith.constant 1 : i32
        %while3A_127 = arith.divsi %while3A_124, %while3A_126 : i32
        %while3A_128 = arith.muli %while3A_127, %while3A_126 : i32
        %while3A_129 = arith.addi %while3A_123, %while3A_128 : i32
        %while3A_130 = arith.constant 1 : i32
        %while3A_131 = scf.for %while3A_141 = %while3A_123 to %while3A_129 step %while3A_130 iter_args(%while3A_142 = %broadcast_in_dim3A_3) -> (vector<16xi32>)  : i32 {
          %mul3A_143 = arith.constant 16 : i32
          %mul3A_144 = arith.muli %while3A_141, %mul3A_143 : i32
          %get3A_145 = arith.index_cast %mul3A_144 : i32 to index
          %get3A_146 = tpu.vector_load %arg6[%get3A_145] {strides = array<i32>} : memref<8192xf32, #tpu.memory_space<vmem>>, vector<16xf32>,
          %ge3A_147 = arith.cmpf oge, %get3A_146, %bitcast3A_122 : vector<16xf32>
          %lt3A = arith.cmpf olt, %get3A_146, %bitcast3A : vector<16xf32>
          %and3A = arith.andi %ge3A_147, %lt3A : vector<16xi1>
          %select_n3A_148 = arith.select %and3A, %broadcast_in_dim3A_5, %broadcast_in_dim3A_3 : vector<16xi1>, vector<16xi32>
          %add3A_149 = arith.addi %while3A_142, %select_n3A_148 : vector<16xi32>
          scf.yield %add3A_149 : vector<16xi32>
        }
        %while3A_132 = arith.constant 1 : i32
        %while3A_133 = scf.for %while3A_141 = %while3A_129 to %while3A_125 step %while3A_132 iter_args(%while3A_142 = %while3A_131) -> (vector<16xi32>)  : i32 {
          %mul3A_143 = arith.constant 16 : i32
          %mul3A_144 = arith.muli %while3A_141, %mul3A_143 : i32
          %get3A_145 = arith.index_cast %mul3A_144 : i32 to index
          %get3A_146 = tpu.vector_load %arg6[%get3A_145] {strides = array<i32>} : memref<8192xf32, #tpu.memory_space<vmem>>, vector<16xf32>,
          %ge3A_147 = arith.cmpf oge, %get3A_146, %bitcast3A_122 : vector<16xf32>
          %lt3A = arith.cmpf olt, %get3A_146, %bitcast3A : vector<16xf32>
          %and3A = arith.andi %ge3A_147, %lt3A : vector<16xi1>
          %select_n3A_148 = arith.select %and3A, %broadcast_in_dim3A_5, %broadcast_in_dim3A_3 : vector<16xi1>, vector<16xi32>
          %add3A_149 = arith.addi %while3A_142, %select_n3A_148 : vector<16xi32>
          scf.yield %add3A_149 : vector<16xi32>
        }
        %reduce_sum3A_134 = arith.constant true
        %reduce_sum3A_135 = vector.broadcast %reduce_sum3A_134 : i1 to vector<16xi1>
        %reduce_sum3A_136 = tpu.scan <sum>, %while3A_133 masked %reduce_sum3A_135 : vector<16xi32>, vector<16xi1> -> vector<16xi32>
        %reduce_sum3A_137 = vector.extract %reduce_sum3A_136[15] : i32 from vector<16xi32>
        %add3A_138 = arith.addi %reduce_sum3A_70, %reduce_sum3A_137 : i32
        %ge3A = arith.cmpi sge, %add3A_138, %add3A_21 : i32
        %select_n3A_139 = arith.select %ge3A, %shift_right_arithmetic3A_120, %scan3A_116 : i32
        %select_n3A_140 = arith.select %ge3A, %scan3A_117, %shift_right_arithmetic3A_120 : i32
        scf.yield %select_n3A_139, %select_n3A_140 : i32, i32
      }
      %scan3A_78 = arith.constant 18 : i32
      %broadcast_in_dim3A_79 = vector.broadcast %scan3A_77#0 : i32 to vector<16xi32>
      %bitcast3A_80 = vector.bitcast %broadcast_in_dim3A_79 : vector<16xi32> to vector<16xf32>
      %while3A_81 = arith.constant 0 : i32
      %while3A_82 = arith.subi %shift_right_arithmetic3A_72, %while3A_81 : i32
      %while3A_83 = arith.addi %while3A_81, %while3A_82 : i32
      %while3A_84 = arith.constant 1 : i32
      %while3A_85 = arith.divsi %while3A_82, %while3A_84 : i32
      %while3A_86 = arith.muli %while3A_85, %while3A_84 : i32
      %while3A_87 = arith.addi %while3A_81, %while3A_86 : i32
      %while3A_88 = arith.constant 1 : i32
      %while3A_89:2 = scf.for %while3A_115 = %while3A_81 to %while3A_87 step %while3A_88 iter_args(%while3A_116 = %broadcast_in_dim3A_1, %while3A_117 = %broadcast_in_dim3A_3) -> (vector<16xf32>, vector<16xi32>)  : i32 {
        %mul3A_118 = arith.constant 16 : i32
        %mul3A_119 = arith.muli %while3A_115, %mul3A_118 : i32
        %get3A_120 = arith.index_cast %mul3A_119 : i32 to index
        %get3A_121 = tpu.vector_load %arg6[%get3A_120] {strides = array<i32>} : memref<8192xf32, #tpu.memory_space<vmem>>, vector<16xf32>,
        %gt3A = arith.cmpf ogt, %get3A_121, %bitcast3A_80 : vector<16xf32>
        %lt3A = arith.cmpf olt, %get3A_121, %bitcast3A : vector<16xf32>
        %and3A = arith.andi %gt3A, %lt3A : vector<16xi1>
        %select_n3A_122 = arith.select %and3A, %get3A_121, %broadcast_in_dim3A_1 : vector<16xi1>, vector<16xf32>
        %add3A_123 = arith.addf %while3A_116, %select_n3A_122 : vector<16xf32>
        %select_n3A_124 = arith.select %and3A, %broadcast_in_dim3A_5, %broadcast_in_dim3A_3 : vector<16xi1>, vector<16xi32>
        %add3A_125 = arith.addi %while3A_117, %select_n3A_124 : vector<16xi32>
        scf.yield %add3A_123, %add3A_125 : vector<16xf32>, vector<16xi32>
      }
      %while3A_90 = arith.constant 1 : i32
      %while3A_91:2 = scf.for %while3A_115 = %while3A_87 to %while3A_83 step %while3A_90 iter_args(%while3A_116 = %while3A_89#0, %while3A_117 = %while3A_89#1) -> (vector<16xf32>, vector<16xi32>)  : i32 {
        %mul3A_118 = arith.constant 16 : i32
        %mul3A_119 = arith.muli %while3A_115, %mul3A_118 : i32
        %get3A_120 = arith.index_cast %mul3A_119 : i32 to index
        %get3A_121 = tpu.vector_load %arg6[%get3A_120] {strides = array<i32>} : memref<8192xf32, #tpu.memory_space<vmem>>, vector<16xf32>,
        %gt3A = arith.cmpf ogt, %get3A_121, %bitcast3A_80 : vector<16xf32>
        %lt3A = arith.cmpf olt, %get3A_121, %bitcast3A : vector<16xf32>
        %and3A = arith.andi %gt3A, %lt3A : vector<16xi1>
        %select_n3A_122 = arith.select %and3A, %get3A_121, %broadcast_in_dim3A_1 : vector<16xi1>, vector<16xf32>
        %add3A_123 = arith.addf %while3A_116, %select_n3A_122 : vector<16xf32>
        %select_n3A_124 = arith.select %and3A, %broadcast_in_dim3A_5, %broadcast_in_dim3A_3 : vector<16xi1>, vector<16xi32>
        %add3A_125 = arith.addi %while3A_117, %select_n3A_124 : vector<16xi32>
        scf.yield %add3A_123, %add3A_125 : vector<16xf32>, vector<16xi32>
      }
      %broadcast_in_dim3A_92 = vector.broadcast %reduce_sum3A_66 : f32 to vector<16xf32>
      %reduce_sum3A_93 = arith.constant true
      %reduce_sum3A_94 = vector.broadcast %reduce_sum3A_93 : i1 to vector<16xi1>
      %reduce_sum3A_95 = tpu.scan <sum>, %while3A_91#0 masked %reduce_sum3A_94 : vector<16xf32>, vector<16xi1> -> vector<16xf32>
      %reduce_sum3A_96 = vector.extract %reduce_sum3A_95[15] : f32 from vector<16xf32>
      %broadcast_in_dim3A_97 = vector.broadcast %reduce_sum3A_96 : f32 to vector<16xf32>
      %add3A_98 = arith.addf %broadcast_in_dim3A_92, %broadcast_in_dim3A_97 : vector<16xf32>
      %broadcast_in_dim3A_99 = vector.broadcast %reduce_sum3A_70 : i32 to vector<16xi32>
      %sub3A = arith.subi %broadcast_in_dim3A_22, %broadcast_in_dim3A_99 : vector<16xi32>
      %reduce_sum3A_100 = arith.constant true
      %reduce_sum3A_101 = vector.broadcast %reduce_sum3A_100 : i1 to vector<16xi1>
      %reduce_sum3A_102 = tpu.scan <sum>, %while3A_91#1 masked %reduce_sum3A_101 : vector<16xi32>, vector<16xi1> -> vector<16xi32>
      %reduce_sum3A_103 = vector.extract %reduce_sum3A_102[15] : i32 from vector<16xi32>
      %broadcast_in_dim3A_104 = vector.broadcast %reduce_sum3A_103 : i32 to vector<16xi32>
      %sub3A_105 = arith.subi %sub3A, %broadcast_in_dim3A_104 : vector<16xi32>
      %convert_element_type3A = arith.sitofp %sub3A_105 : vector<16xi32> to vector<16xf32>
      %mul3A_106 = arith.mulf %convert_element_type3A, %bitcast3A_80 : vector<16xf32>
      %add3A_107 = arith.addf %add3A_98, %mul3A_106 : vector<16xf32>
      %broadcast_in_dim3A_108 = vector.broadcast %scan3A_12 : i32 to vector<16xi32>
      %eq3A = arith.cmpi eq, %iota3A, %broadcast_in_dim3A_108 : vector<16xi32>
      %select_n3A = arith.select %eq3A, %add3A_107, %scan3A_13 : vector<16xi1>, vector<16xf32>
      %add3A_109 = arith.constant 4 : i32
      %add3A_110 = vector.broadcast %add3A_109 : i32 to vector<16xi32>
      %add3A_111 = arith.addi %broadcast_in_dim3A_108, %add3A_110 : vector<16xi32>
      %eq3A_112 = arith.cmpi eq, %iota3A, %add3A_111 : vector<16xi32>
      %convert_element_type3A_113 = arith.sitofp %broadcast_in_dim3A_22 : vector<16xi32> to vector<16xf32>
      %select_n3A_114 = arith.select %eq3A_112, %convert_element_type3A_113, %select_n3A : vector<16xi1>, vector<16xf32>
      scf.yield %select_n3A_114 : vector<16xf32>
    }
    %scan3A_10 = arith.constant 4 : i32
    %swap3A = arith.constant 0 : index
    %swap3A_11 = tpu.vector_load %arg8[%swap3A] {strides = array<i32>} : memref<16xf32, #tpu.memory_space<vmem>>, vector<16xf32>,
    tpu.vector_store %arg8[%swap3A], %scan3A_9 {strides = array<i32>} : memref<16xf32, #tpu.memory_space<vmem>>, vector<16xf32>,
    "tpu.region"() ({
      %run_scoped3A = tpu.sem_alloc : memref<!tpu.dma_semaphore, #tpu.memory_space<semaphore_mem>>
      %dma_start3A = arith.constant 0 : i32
      %dma_start3A_12 = tpu.memref_slice %arg4[%add3A, %dma_start3A] : memref<32x16xf32, #tpu.memory_space<hbm>> -> memref<1x16xf32, #tpu.memory_space<hbm>>
      %dma_start3A_13 = tpu.memref_squeeze %dma_start3A_12 : memref<1x16xf32, #tpu.memory_space<hbm>> -> memref<16xf32, #tpu.memory_space<hbm>>
      %dma_start3A_14 = arith.constant 0 : i32
      %dma_start3A_15 = tpu.memref_slice %arg4[%add3A, %dma_start3A_14] : memref<32x16xf32, #tpu.memory_space<hbm>> -> memref<1x16xf32, #tpu.memory_space<hbm>>
      %dma_start3A_16 = tpu.memref_squeeze %dma_start3A_15 : memref<1x16xf32, #tpu.memory_space<hbm>> -> memref<16xf32, #tpu.memory_space<hbm>>
      tpu.enqueue_dma source(%arg8 : memref<16xf32, #tpu.memory_space<vmem>>) target(%dma_start3A_16 : memref<16xf32, #tpu.memory_space<hbm>>) target_semaphore(%run_scoped3A : memref<!tpu.dma_semaphore, #tpu.memory_space<semaphore_mem>>)
      %dma_wait3A = arith.constant 0 : i32
      %dma_wait3A_17 = tpu.memref_slice %arg4[%add3A, %dma_wait3A] : memref<32x16xf32, #tpu.memory_space<hbm>> -> memref<1x16xf32, #tpu.memory_space<hbm>>
      %dma_wait3A_18 = tpu.memref_squeeze %dma_wait3A_17 : memref<1x16xf32, #tpu.memory_space<hbm>> -> memref<16xf32, #tpu.memory_space<hbm>>
      %dma_wait3A_19 = arith.constant 0 : i32
      %dma_wait3A_20 = tpu.memref_slice %arg4[%add3A, %dma_wait3A_19] : memref<32x16xf32, #tpu.memory_space<hbm>> -> memref<1x16xf32, #tpu.memory_space<hbm>>
      %dma_wait3A_21 = tpu.memref_squeeze %dma_wait3A_20 : memref<1x16xf32, #tpu.memory_space<hbm>> -> memref<16xf32, #tpu.memory_space<hbm>>
      tpu.wait_dma2 semaphore(%run_scoped3A : memref<!tpu.dma_semaphore, #tpu.memory_space<semaphore_mem>>) src(%arg8 : memref<16xf32, #tpu.memory_space<vmem>>) dst(%dma_wait3A_21 : memref<16xf32, #tpu.memory_space<hbm>>)
      tpu.yield
    }) : () -> ()
    return
  }
}

module attributes {stable_mosaic.version = 14 : i64} {
  func.func @_tc_bce_body(%arg0: memref<32x16xf32, #tpu.memory_space<vmem>>, %arg1: memref<32x4xf32, #tpu.memory_space<vmem>>, %arg2: memref<1x1xf32, #tpu.memory_space<smem>>) attributes {dimension_semantics = [], scalar_prefetch = 0 : i64, scratch_operands = 0 : i64, tpu.core_type = #tpu.core_type<tc>} {
    %get3A = arith.constant 0 : index
    %get3A_0 = arith.constant 0 : index
    %get3A_1 = vector.load %arg0[%get3A, %get3A_0] : memref<32x16xf32, #tpu.memory_space<vmem>>, vector<32x16xf32>
    %slice3A = vector.extract_strided_slice %get3A_1 {offsets = [0, 0], sizes = [32, 4], strides = [1, 1]} : vector<32x16xf32> to vector<32x4xf32>
    %slice3A_2 = vector.extract_strided_slice %get3A_1 {offsets = [0, 4], sizes = [32, 4], strides = [1, 1]} : vector<32x16xf32> to vector<32x4xf32>
    %div3A = arith.divf %slice3A, %slice3A_2 : vector<32x4xf32>
    %get3A_3 = arith.constant 0 : index
    %get3A_4 = arith.constant 0 : index
    %get3A_5 = vector.load %arg1[%get3A_3, %get3A_4] : memref<32x4xf32, #tpu.memory_space<vmem>>, vector<32x4xf32>
    %log3A = math.log %div3A : vector<32x4xf32>
    %mul3A = arith.mulf %get3A_5, %log3A : vector<32x4xf32>
    %sub3A = arith.constant 1.000000e+00 : f32
    %sub3A_6 = vector.broadcast %sub3A : f32 to vector<32x4xf32>
    %sub3A_7 = arith.subf %sub3A_6, %get3A_5 : vector<32x4xf32>
    %sub3A_8 = arith.constant 1.000000e+00 : f32
    %sub3A_9 = vector.broadcast %sub3A_8 : f32 to vector<32x4xf32>
    %sub3A_10 = arith.subf %sub3A_9, %div3A : vector<32x4xf32>
    %log3A_11 = math.log %sub3A_10 : vector<32x4xf32>
    %mul3A_12 = arith.mulf %sub3A_7, %log3A_11 : vector<32x4xf32>
    %add3A = arith.addf %mul3A, %mul3A_12 : vector<32x4xf32>
    %reduce_sum3A = vector.shape_cast %add3A : vector<32x4xf32> to vector<1x32x4xf32>
    %reduce_sum3A_13 = arith.constant dense<0.000000e+00> : vector<1xf32>
    %reduce_sum3A_14 = vector.multi_reduction <add>, %reduce_sum3A, %reduce_sum3A_13 [1, 2] : vector<1x32x4xf32> to vector<1xf32>
    %reduce_sum3A_15 = vector.shape_cast %reduce_sum3A_14 : vector<1xf32> to vector<1x1x1xf32>
    %reduce_sum3A_16 = vector.extract %reduce_sum3A_15[0, 0, 0] : f32 from vector<1x1x1xf32>
    %neg3A = arith.constant 0.000000e+00 : f32
    %neg3A_17 = arith.subf %neg3A, %reduce_sum3A_16 : f32
    %div3A_18 = arith.constant 1.280000e+02 : f32
    %div3A_19 = arith.divf %neg3A_17, %div3A_18 : f32
    %swap3A = arith.constant 0 : index
    %swap3A_20 = arith.constant 0 : index
    %swap3A_21 = memref.load %arg2[%swap3A, %swap3A_20] : memref<1x1xf32, #tpu.memory_space<smem>>
    memref.store %div3A_19, %arg2[%swap3A, %swap3A_20] : memref<1x1xf32, #tpu.memory_space<smem>>
    return
  }
}

</mosaic_0001>

<sc_bundles>
// kernel: kernel.4.cloned.1.call-start
scs
__scs_entry_jumppad:
0x0: {  	(pc) =	sbr.rel $0x88, $3  }
0x1: {  	(tag) =	ssettag $0x0;
	lr =	simm.s32 $0x1  }
0x2: {  	[smem:$0x3F9E] =	sst lr;
	_ =	strace $0xD0000000  }
0x3: {  	_ = 	snop  }
0x4: {  	_ = 	snop  }
0x5: {  	_ = 	snop  }
0x6: {  	_ = 	snop  }
0x7: {  	_ = 	snop  }
__scs_overlays_trampoline_lowered:
0x8: {  	[smem:$0x3FAD] =	sst s0  }
0x9: {  	[smem:$0x3FAE] =	sst s1  }
0xa: {  	[smem:$0x3FAF] =	sst s2  }
0xb: {  	[smem:$0x3FB0] =	sst s3  }
0xc: {  	[smem:$0x3FB1] =	sst s4  }
0xd: {  	[smem:$0x3FB2] =	sst s5  }
0xe: {  	[smem:$0x3FB3] =	sst s6  }
0xf: {  	[smem:$0x3FB4] =	sst s7  }
0x10: {  	[smem:$0x3FB5] =	sst s8  }
0x11: {  	[smem:$0x3FB6] =	sst s9;
	s0 =	simm.s32 @!p0 $0x0  }
0x12: {  	s1 =	sld [smem:$0x3F9C];
	s0 =	simm.s32 @p0 $0x1  }
0x13: {  	[smem:$0x3FB7] =	sst s0;
	s0 =	simm.s32 @!p1 $0x0  }
0x14: {  	s2 =	sld [smem:$0x3F9B];
	s0 =	simm.s32 @p1 $0x1  }
0x15: {  	[smem:$0x3FB8] =	sst s0;
	s0 =	simm.s32 @!p2 $0x0  }
0x16: {  	s3 =	sld [smem:$0x3FDB];
	s0 =	simm.s32 @p2 $0x1  }
0x17: {  	s4 =	simm.s32 $0x1BF5;
	[smem:$0x3FBA] =	sst s0  }
0x18: {  	s0 =	sld [smem:$0x3F9D];
	_ =	swait.ge [sflag:s4], $0x0  }
0x19: {  	s7 =	sld [smem:$0x3F9E]  }
0x1a: {  	s8 =	sadd.s32 $0xFFFFE003, lr  }
0x1b: {  	s9 =	sadd.s32 $0xFFFFFEF7, lr;
	s5 =	simm.s32 $0xFFFFFFFF;
	p2 =	slt.u32 s8, $0xFFFFF086  }
0x1c: {  	p1 =	slt.u32 s9, $0xF7A;
	s5 =	simm.s32 @!p2 $0x0  }
0x1d: {  	s5 =	simm.s32 @p1 $0x1;
	p0 =	seq.s32 s7, s2  }
0x1e: {  	s7 =	smul.u32 @!p0 $0xF7A, s2;
	p2 =	seq.s32 @!p0 s5, $0x0  }
0x1f: {  	s9 =	smul.u32 $0xF7A, s1;
	s8 =	simm.s32 @!p0 $0x1BF5;
	p2 =	por !p2, p0  }
0x20: {  	[sflag:s8] =	ssyncset.s32 @!p0 $0xFFFFF086;
	s6 =	sadd.s32 @!p0 s3, s7;
	s7 =	simm.s32 @!p0 $0x108  }
0x21: {  	s3 =	sadd.s32 s3, s9;
	s6 =	sadd.s32 @!p0 $0x88, s6;
	s7 =	simm.s32 @p2 $0x1082  }
0x22: {  	[simem:s7], [sflag:s8] =	dma.local @!p0 [hbm:s6], $0xF7A  }
0x23: {  	s9 =	sor.u32 $0xD0000000, s2;
	s6 =	simm.s32 $0x108;
	_ =	swait.ge @!p0 [sflag:s8], $0x0  }
0x24: {  	s3 =	sadd.s32 $0x88, s3;
	s6 =	simm.s32 @!p1 $0x1082;
	[sflag:s4] =	ssyncset.s32 $0xFFFFF086  }
0x25: {  	[simem:s6], [sflag:s4] =	dma.local [hbm:s3], $0xF7A  }
0x26: {  	[smem:$0x3F9E] =	sst s1;
	(tag) =	ssettag s2;
	_ =	strace s9  }
0x27: {  	s1 =	sld [smem:$0x3FAE]  }
0x28: {  	s2 =	sld [smem:$0x3FAF]  }
0x29: {  	s4 =	sld [smem:$0x3FB1]  }
0x2a: {  	p0 =	seq.s32 s5, $0x0;
	s5 =	sld [smem:$0x3FB2]  }
0x2b: {  	s6 =	sld [smem:$0x3FB3]  }
0x2c: {  	s7 =	sld [smem:$0x3FB4]  }
0x2d: {  	s3 =	simm.s32 $0x108;
	s8 =	sld [smem:$0x3FB5]  }
0x2e: {  	s3 =	simm.s32 @!p0 $0x1082;
	s9 =	sld [smem:$0x3FB6]  }
0x2f: {  	lr =	sadd.s32 s0, s3;
	s0 =	sld [smem:$0x3FAD]  }
0x30: {  	s3 =	sld [smem:$0x3FB0]  }
0x31: {  	[smem:$0x3FB9] =	sst s10  }
0x32: {  	s10 =	sld [smem:$0x3FB7];
	_ =	sdelay $0x3  }
0x33: {  	p0 =	seq.s32 s10, $0x1;
	s10 =	sld [smem:$0x3FB9];
	_ =	sdelay $0x3  }
0x34: {  	[smem:$0x3FB9] =	sst s10  }
0x35: {  	s10 =	sld [smem:$0x3FB8];
	_ =	sdelay $0x3  }
0x36: {  	p1 =	seq.s32 s10, $0x1;
	s10 =	sld [smem:$0x3FB9];
	_ =	sdelay $0x3  }
0x37: {  	[smem:$0x3FB9] =	sst s10  }
0x38: {  	s10 =	sld [smem:$0x3FBA]  }
0x39: {  	_ = 	snop;
	(pc) =	sbr.ind lr, $3  }
0x3a: {  	_ = 	snop  }
0x3b: {  	_ = 	snop  }
0x3c: {  	p2 =	seq.s32 s10, $0x1;
	s10 =	sld [smem:$0x3FB9]  }
0x3d: {  	_ =	shalt  }
0x3e: {  	_ =	shalt  }
0x3f: {  	_ =	shalt  }
0x40: {  	_ =	shalt  }
0x41: {  	_ =	shalt  }
0x42: {  	_ =	shalt  }
0x43: {  	_ =	shalt  }
0x44: {  	_ =	shalt  }
0x45: {  	_ =	shalt  }
0x46: {  	_ =	shalt  }
0x47: {  	_ =	shalt  }
0x48: {  	_ =	shalt  }
0x49: {  	_ =	shalt  }
0x4a: {  	_ =	shalt  }
0x4b: {  	_ =	shalt  }
0x4c: {  	_ =	shalt  }
0x4d: {  	_ =	shalt  }
0x4e: {  	_ =	shalt  }
0x4f: {  	_ =	shalt  }
0x50: {  	_ =	shalt  }
0x51: {  	_ =	shalt  }
0x52: {  	_ =	shalt  }
0x53: {  	_ =	shalt  }
0x54: {  	_ =	shalt  }
0x55: {  	_ =	shalt  }
0x56: {  	_ =	shalt  }
0x57: {  	_ =	shalt  }
0x58: {  	_ =	shalt  }
0x59: {  	_ =	shalt  }
0x5a: {  	_ =	shalt  }
0x5b: {  	_ =	shalt  }
0x5c: {  	_ =	shalt  }
0x5d: {  	_ =	shalt  }
0x5e: {  	_ =	shalt  }
0x5f: {  	_ =	shalt  }
0x60: {  	_ =	shalt  }
0x61: {  	_ =	shalt  }
0x62: {  	_ =	shalt  }
0x63: {  	_ =	shalt  }
0x64: {  	_ =	shalt  }
0x65: {  	_ =	shalt  }
0x66: {  	_ =	shalt  }
0x67: {  	_ =	shalt  }
0x68: {  	_ =	shalt  }
0x69: {  	_ =	shalt  }
0x6a: {  	_ =	shalt  }
0x6b: {  	_ =	shalt  }
0x6c: {  	_ =	shalt  }
0x6d: {  	_ =	shalt  }
0x6e: {  	_ =	shalt  }
0x6f: {  	_ =	shalt  }
0x70: {  	_ =	shalt  }
0x71: {  	_ =	shalt  }
0x72: {  	_ =	shalt  }
0x73: {  	_ =	shalt  }
0x74: {  	_ =	shalt  }
0x75: {  	_ =	shalt  }
0x76: {  	_ =	shalt  }
0x77: {  	_ =	shalt  }
0x78: {  	_ =	shalt  }
0x79: {  	_ =	shalt  }
0x7a: {  	_ =	shalt  }
0x7b: {  	_ =	shalt  }
0x7c: {  	_ =	shalt  }
0x7d: {  	_ =	shalt  }
0x7e: {  	_ =	shalt  }
0x7f: {  	_ =	shalt  }
0x80: {  	_ =	shalt  }
0x81: {  	_ =	shalt  }
0x82: {  	_ =	shalt  }
0x83: {  	_ =	shalt  }
0x84: {  	_ =	shalt  }
0x85: {  	_ =	shalt  }
0x86: {  	_ =	shalt  }
0x87: {  	_ =	shalt  }
.Lfunc_end0:
.L_simem_size_0:
called_computation_lowered:
.L_overlay_start_0:
0x88: {  	s2 =	sld [smem:$0x3FD9]  }
0x89: {  	s3 =	sld [smem:$0x3FFE];
	_ =	sdelay $0x1  }
0x8a: {  	s1 =	srdreg.scid  }
0x8b: {  	s0 =	sand.u32 $0x1, s1  }
0x8c: {  	s17 =	sshll.u32 s0, $0xA;
	s2 =	sadd.s32 s3, s2  }
0x8d: {  	s2 =	sadd.s32 s2, s17  }
0x8e: {  	[smem:$0x3FC5] =	sst s2  }
0x8f: {  	_ = 	snop  }
0x90: {  	s2 =	sld [smem:$0x3FC9]  }
0x91: {  	s18 =	sld [smem:$0x3FC7];
	(tm) =	ssettm $0x1  }
0x92: {  	s4 =	sld [smem:$0x3FFB];
	_ =	sdelay $0x3  }
0x93: {  	_ =	strace s4  }
0x94: {  	s4 =	sld [smem:$0x3FFC];
	_ =	sdelay $0x3  }
0x95: {  	_ =	strace s4  }
0x96: {  	s4 =	sld [smem:$0x3FFD];
	_ =	sdelay $0x3  }
0x97: {  	_ =	strace s4  }
0x98: {  	_ =	strace $0x8FFFFFFF  }
0x99: {  	s19 =	sld [smem:$0x3FDB];
	_ =	sdelay $0x1  }
0x9a: {  	s5 =	simm.s32 $_scs_section_size  }
0x9b: {  	s6 =	simm.s32 $_size__tile_overlayer_lowered;
	s7 =	simm.s32 $_tile_overlayer_lowered  }
0x9c: {  	s22 =	simm.s32 $0x1BFF;
	s21 =	sshll.u32 s7, $0x1;
	s4 =	sadd.s32 s5, s19  }
0x9d: {  	s8 =	simm.s32 $0x0;
	s20 =	sshll.u32 s6, $0x1;
	s6 =	sadd.s32 s21, s4  }
0x9e: {  	[timem:s8], [sflag:s22] =	dma.local [hbm:s6], s20  }
0x9f: {  	_ =	swait.ge [sflag:s22], s20  }
0xa0: {  	s5 =	ssub.s32 $0x0, s20;
	[sflag:s22] =	ssyncset.done $0x0  }
0xa1: {  	[sflag:s22] =	ssyncadd.s32 s5;
	_ =	sdelay $0x1  }
0xa2: {  	s23 =	simm.s32 $0x1B8B  }
0xa3: {  	_ =	swait.ge [sflag:s23], $0x1  }
0xa4: {  	[sflag:s23] =	ssyncset.done $0x0  }
0xa5: {  	s25 =	simm.s32 $0x1B8E;
	s24 =	sld [smem:$0x3FFE];
	[sflag:s23] =	ssyncadd.s32 $0xFFFFFFFF  }
0xa6: {  	s26 =	simm.s32 $execute0_lowered;
	[smem:$0x3FD2] =	sst s25  }
0xa7: {  	s6 =	sshll.u32 s26, $0x1;
	_ =	strace $0x80000046;
	[dreg:$0x1] =	wrdreg $0xFFFFFFFF  }
0xa8: {  	s28 =	simm.s32 $_size_execute0_lowered;
	s4 =	sadd.s32 s4, s6;
	[dreg:$0x0] =	wrdreg $0x0  }
0xa9: {  	s6 =	sshll.u32 s28, $0x1;
	[dreg:$0x2] =	wrdreg s4  }
0xaa: {  	[dreg:$0x3] =	wrdreg s6  }
0xab: {  	[dreg:$0x4] =	wrdreg $0xC0  }
0xac: {  	_ =	task [dreg:s8], $0x5FFFF  }
0xad: {  	[dreg:$0x1] =	wrdreg $0xFFFFFFFF  }
0xae: {  	[dreg:$0x0] =	wrdreg $0x60  }
0xaf: {  	[dreg:$0x2] =	wrdreg s2  }
0xb0: {  	[dreg:$0x3] =	wrdreg s18  }
0xb1: {  	[dreg:$0x4] =	wrdreg s24  }
0xb2: {  	[dreg:$0x5] =	wrdreg $0x9  }
0xb3: {  	_ =	task.clear_ibuf [dreg:s8], $0x6FFFF;
	_ =	strace $0x90000046  }
0xb4: {  	s29 =	simm.s32 $0x9;
	_ =	strace $0x80000048  }
0xb5: {  	_ =	swait.ge [sflag:s29], $0x1  }
0xb6: {  	[sflag:s29] =	ssyncadd.s32 $0xFFFFFFFF  }
0xb7: {  	_ =	strace $0x90000048  }
0xb8: {  	_ =	sfence  }
0xb9: {  	s30 =	sld [smem:$0x0];
	_ =	sdelay $0x2  }
0xba: {  	s31 =	sshll.u32 s1, $0xD;
	s1 =	sshrl.u32 s1, $0x2  }
0xbb: {  	s3 =	sand.u32 $0x4000, s31;
	s1 =	sadd.s32 s1, s30  }
0xbc: {  	s0 =	sor.u32 s3, s0;
	s1 =	sshll.u32 s1, $0x11  }
0xbd: {  	s0 =	sor.u32 s1, s0  }
0xbe: {  	s0 =	sadd.s32 $0x8F2B, s0  }
0xbf: {  	[sflag:s0] =	ssyncadd.remote.s32 $0x1  }
0xc0: {  	_ =	sfence.sel $0xFFFF  }
0xc1: {  	[dreg:$0x0] =	wrdreg $0xFFFFFFFF;
	(pc) =	sbr.abs _section_cstart, $3  }
0xc2: {  	[dreg:$0x1] =	wrdreg $0xFFFFFFFF  }
0xc3: {  	_ =	task.clear_ibuf [dreg:s8], $0x2FFFF;
	_ =	strace $0x9FFFFFFF  }
0xc4: {  	(tm) =	ssettm $0x7FFFFFFF  }
0xc5: {  	_ =	shalt  }
tec
execute0_lowered:
.L_overlay_start_1:
0x0: {  	(tag) =	ssettag $0x1  }
0x1: {  	s5 =	rddreg [dreg:$0x0]  }
0x2: {  	s2 =	rddreg [dreg:$0x1];
	s1 =	srdreg.scid  }
0x3: {  	s0 =	stileid.u32;
	s4 =	rddreg [dreg:$0x2]  }
0x4: {  	s3 =	simm.s32 $0x0;
	s10 =	simm.s32 $0x80;
	s11 =	simm.s32 $0x400  }
0x5: {  	s12 =	simm.s32 $0x4100;
	s6 =	sand.u32 $0x1, s1;
	s1 =	rddreg [dreg:$0x3]  }
0x6: {  	s13 =	simm.s32 $0x0;
	s7 =	sshll.u32 s0, $0x1;
	[smem:$0x7FF] =	sst s3  }
.Ltmp0:
0x7: {  	s31 =	sshll.u32 s0, $0xD;
	s7 =	sor.u32 s6, s7;
	(pc) =	sbr.rel .LBB2_1-.Ltmp0, $4  }
0x8: {  	s6 =	ssub.s32 $0x2, s6;
	_ =	strace $0x80000047;
	s8 =	sshll.u32 s7, $0x4  }
0x9: {  	s5 =	sadd.s32 s5, s31;
	s30 =	sshrl.u32 s6, $0x1;
	s8 =	sadd.s32 s8, s4  }
0xa: {  	v0 =	vlaneseq.u32;
	s9 =	ssub.s32 s6, s30;
	s4 =	sshll.u32 s7, $0x2;
	s6 =	sadd.s32 $0x800, s8  }
0xb: {  	v1 =	vimm.s32 $0x0;
	v2 =	vadd.s32 $0xFFFFFFFC, v0;
	s7 =	smax.u32 s9, $0x1;
	s8 =	simm.s32 $0x4000;
	s9 =	simm.s32 $0x1;
	v3 =	vmov s4  }
.LBB2_35:
0xc: {  	s13 =	sadd.s32 $0x1, s13  }
0xd: {  	p0 =	sne.s32 s13, s7  }
.Ltmp1:
0xe: {  	[tilespmem:$0x4100] =	vst v4;
	(pc) =	sbr.rel @!p0 .LBB2_36-.Ltmp1, $4  }
0xf: {  	[hbm4b:s6+s3] =	stream.linear.scatter [tilespmem:s12], [sflag:$0x1], $0x80, $0x38;
	[tilespmem:$0x4180] =	vst v63  }
0x10: {  	_ =	swait.ge [sflag:s9], $0x80  }
0x11: {  	[sflag:s9] =	ssyncset.done $0x0  }
0x12: {  	[sflag:s9] =	ssyncadd.s32 $0xFFFFFF80  }
.LBB2_1:
.Ltmp2:
0x13: {  	(pc) =	sbr.rel .LBB2_2-.Ltmp2, $4  }
0x14: {  	[tilespmem:s8], [sflag:$0x1] =	stream.linear.gather [hbm4b:s2+s3], $0x80, $0x38;
	[tilespmem:$0x4180] =	vst v63  }
0x15: {  	_ =	swait.ge [sflag:s9], $0x80  }
0x16: {  	[sflag:s9] =	ssyncset.done $0x0  }
0x17: {  	v4 =	vimm.f32 $0.0e+00;
	s14 =	simm.s32 $0x0;
	[sflag:s9] =	ssyncadd.s32 $0xFFFFFF80  }
.LBB2_33:
0x18: {  	vm0 =	vmand vm0, vm1  }
0x19: {  	v6 =	vnsel vm0, $0x0, v12;
	v63 =	vsel vm0, $0x1, v1  }
0x1a: {  	v10 =	vadd.f32 v6, v10;
	v11 =	vadd.s32 v63, v11  }
.LBB2_34:
0x1b: {  	(xrf0) =	vadd.scan.msk.s32 $0xffff, v11  }
0x1c: {  	(xrf2) =	vadd.scan.msk.f32 $0xffff, v10;
	_ =	sdelay $0x5  }
0x1d: {  	v6, _, _ =	vpop (xrf0)  }
0x1e: {  	v6 =	vadd.s32 v7, v6  }
0x1f: {  	v6 =	vbroadcast v6, $0xF;
	_ =	sdelay $0x1  }
0x20: {  	v6 =	vsub.s32 v5, v6;
	v7, _, _ =	vpop (xrf2)  }
0x21: {  	v6 =	vcvt.s32.f32 v6;
	v7 =	vadd.f32 v7, v9;
	_ =	sdelay $0x1  }
0x22: {  	v6 =	vmul.f32 v6, v8;
	v7 =	vbroadcast v7, $0xF;
	_ =	sdelay $0x1  }
0x23: {  	v6 =	vadd.f32 v6, v7;
	v7 =	vmov s14;
	s14 =	sadd.s32 $0x1, s14  }
0x24: {  	p0 =	sne.s32 s14, $0x4  }
.Ltmp3:
0x25: {  	_ = 	snop;
	(pc) =	sbr.rel @!p0 .LBB2_35-.Ltmp3, $4  }
0x26: {  	_ = 	snop  }
0x27: {  	v5 =	vcvt.s32.f32 v5;
	vm0 =	veq.s32 v7, v0  }
0x28: {  	vm15 =	veq.s32 v7, v2;
	v4 =	vsel vm0, v6, v4  }
0x29: {  	v4 =	vsel vm15, v5, v4  }
.LBB2_2:
0x2a: {  	s15 =	sadd.s32 s4, s14  }
0x2b: {  	s15 =	sshll.u32 s15, $0x4  }
0x2c: {  	s15 =	sand.u32 $0x70, s15  }
0x2d: {  	s15 =	sadd.s32 s15, s5  }
0x2e: {  	[tilespmem:s3], [sflag:$0x1] =	stream.strided.gather [hbm4b:s15+s10], $0x2000, s11, s10, $0x38;
	[tilespmem:$0x4180] =	vst v63  }
0x2f: {  	_ =	swait.ge [sflag:s9], $0x2000  }
0x30: {  	[sflag:s9] =	ssyncset.done $0x0  }
0x31: {  	[sflag:s9] =	ssyncadd.s32 $0xFFFFE000  }
0x32: {  	v5 =	vld.idx.msk [tilespmem:v3+s14+$0x4000 ss:$0x1], $0xffff;
	_ =	sdelay $0x4  }
0x33: {  	(v2sf) =	vpush v5, $0x0;
	_ =	sdelay $0xe  }
0x34: {  	s31 =	spop (v2sf)  }
0x35: {  	s16 =	sadd.s32 $0x7F, s31  }
0x36: {  	s20 =	sshra.s32 s16, $0x7  }
0x37: {  	s15 =	sshra.s32 s31, $0x4;
	s16 =	sshll.u32 s20, $0x3  }
0x38: {  	p0 =	sle.s32 s16, s15  }
.Ltmp4:
0x39: {  	_ = 	snop;
	(pc) =	sbr.rel @p0 .LBB2_9-.Ltmp4, $1  }
0x3a: {  	_ =	sdelay $0x3  }
0x3b: {  	s18 =	ssub.s32 s16, s15  }
0x3c: {  	p1 =	seq.s32 s18, $0x1  }
.Ltmp5:
0x3d: {  	_ = 	snop;
	(pc) =	sbr.rel @p1 .LBB2_4-.Ltmp5, $4  }
0x3e: {  	_ = 	snop  }
0x3f: {  	s17 =	sshll.u32 s15, $0x6  }
0x40: {  	s16 =	sshra.s32 s17, $0x2  }
0x41: {  	v5 =	vbroadcast v5, $0x0;
	p0 =	por $0x0, $0x0;
	s17 =	sshll.u32 s15, $0x4;
	s18 =	sadd.s32 $0xFFFFFFFF, s18;
	v6 =	vld [tilespmem:s16+$0x0]  }
0x42: {  	_ = 	snop  }
0x43: {  	p1 =	seq.s32 s18, $0x1  }
.Ltmp6:
0x44: {  	v7 =	vor.u32 s17, v0;
	(pc) =	sbr.rel @p1 .LBB2_6-.Ltmp6, $4  }
0x45: {  	vm0 =	vlt.s32 v7, v5  }
0x46: {  	v6 =	vnsel vm0, $0x0, v6  }
0x47: {  	[tilespmem:s16+$0x0] =	vst v6;
	s16 =	sadd.s32 $0x10, s16  }
0x48: {  	s19 =	sadd.s32 $0xFFFFFFFF, s18;
	p0 =	por $0x1, $0x1;
	s18 =	smov.u32 s17;
	v6 =	vld [tilespmem:s16+$0x0]  }
.LBB2_7:
0x49: {  	p1 =	seq.s32 s19, $0x1  }
0x4a: {  	s18 =	sadd.s32 $0x10, s18  }
.Ltmp7:
0x4b: {  	v7 =	vor.u32 s18, v0;
	(pc) =	sbr.rel @!p1 .LBB2_7-.Ltmp7, $4  }
0x4c: {  	vm0 =	vlt.s32 v7, v5  }
0x4d: {  	v6 =	vnsel vm0, $0x0, v6  }
0x4e: {  	[tilespmem:s16+$0x0] =	vst v6;
	s16 =	sadd.s32 $0x10, s16  }
0x4f: {  	s19 =	sadd.s32 $0xFFFFFFFF, s19;
	v6 =	vld [tilespmem:s16+$0x0]  }
.LBB2_8:
0x50: {  	s18 =	sadd.s32 @p0 $0x10, s18  }
0x51: {  	s17 =	smov.u32 @p0 s18  }
0x52: {  	v7 =	vor.u32 s17, v0  }
0x53: {  	vm0 =	vlt.s32 v7, v5  }
0x54: {  	v5 =	vnsel vm0, $0x0, v6  }
0x55: {  	[tilespmem:s16+$0x0] =	vst v5  }
.LBB2_9:
.Ltmp8:
0x56: {  	(pc) =	sbr.rel .LBB2_10-.Ltmp8, $3  }
0x57: {  	_ =	sdelay $0x1  }
0x58: {  	s16 =	sadd.s32 $0x1, s15;
	s18 =	simm.s32 $0x0  }
0x59: {  	s19 =	simm.s32 $0x3F800000;
	p0 =	slt.s32 s20, $0x1;
	v5 =	vmov s16;
	s16 =	simm.s32 $0x35000000  }
.LBB2_12:
0x5a: {  	_ = 	snop  }
.LBB2_15:
0x5b: {  	v13 =	vadd.s32 @p1 v14, v13;
	v14 =	vsel @p1 vm0, $0x1, v1;
	vm0 =	vge.f32 @p1 v11, v6  }
0x5c: {  	v54 =	vld [tilespmem:s21+$0xFFFFFFD0];
	v13 =	vadd.s32 @p1 v14, v13;
	v14 =	vsel @p1 vm0, $0x1, v1;
	vm0 =	vge.f32 @p1 v9, v6  }
0x5d: {  	v55 =	vld [tilespmem:s21+$0xFFFFFFE0];
	v13 =	vadd.s32 @p1 v14, v13;
	v14 =	vsel @p1 vm0, $0x1, v1;
	vm0 =	vge.f32 @p1 v10, v6  }
0x5e: {  	v56 =	vld [tilespmem:s21+$0xFFFFFFF0];
	v13 =	vadd.s32 @p1 v14, v13;
	v14 =	vsel @p1 vm0, $0x1, v1;
	vm0 =	vge.f32 @p1 v12, v6  }
0x5f: {  	v57 =	vld [tilespmem:s21+$0x0];
	v13 =	vadd.s32 @p1 v14, v13;
	v14 =	vsel @p1 vm0, $0x1, v1  }
0x60: {  	vm8 =	vge.f32 v8, v6;
	v8 =	vld [tilespmem:s21+$0x10];
	v13 =	vadd.s32 @p1 v14, v13  }
0x61: {  	v59 =	vld [tilespmem:s21+$0x20];
	v58 =	vsel vm8, $0x1, v1;
	vm9 =	vge.f32 v54, v6;
	v7 =	vpsel p1, v13, v7  }
0x62: {  	v61 =	vld [tilespmem:s21+$0x30];
	vm10 =	vge.f32 v55, v6;
	v60 =	vsel vm9, $0x1, v1;
	v7 =	vadd.s32 v58, v7  }
0x63: {  	vm11 =	vge.f32 v56, v6;
	v62 =	vsel vm10, $0x1, v1;
	v7 =	vadd.s32 v60, v7  }
0x64: {  	vm12 =	vge.f32 v57, v6;
	v10 =	vsel vm11, $0x1, v1;
	v7 =	vadd.s32 v62, v7  }
0x65: {  	vm13 =	vge.f32 v8, v6;
	v63 =	vsel vm12, $0x1, v1;
	v7 =	vadd.s32 v10, v7  }
0x66: {  	vm14 =	vge.f32 v59, v6;
	v8 =	vsel vm13, $0x1, v1;
	v7 =	vadd.s32 v63, v7  }
0x67: {  	vm15 =	vge.f32 v61, v6;
	v7 =	vadd.s32 v8, v7;
	v8 =	vsel vm14, $0x1, v1  }
0x68: {  	v6 =	vadd.s32 v8, v7;
	v7 =	vsel vm15, $0x1, v1  }
0x69: {  	v7 =	vadd.s32 v7, v6  }
.LBB2_16:
0x6a: {  	(xrf0) =	vadd.scan.msk.s32 $0xffff, v7;
	_ =	sdelay $0x5  }
0x6b: {  	v6, _, _ =	vpop (xrf0)  }
0x6c: {  	(v2sf) =	vpush v6, $0xF;
	_ =	sdelay $0xe  }
0x6d: {  	s21 =	spop (v2sf)  }
0x6e: {  	s18 =	sadd.s32 $0x1, s18;
	p1 =	sgt.s32 s21, s15  }
0x6f: {  	s16 =	smov.u32 @p1 s17;
	s17 =	smov.u32 @p1 s19;
	p1 =	sne.s32 s18, $0xA  }
.Ltmp9:
0x70: {  	_ = 	snop;
	(pc) =	sbr.rel @!p1 .LBB2_17-.Ltmp9, $2  }
0x71: {  	_ =	sdelay $0x2  }
0x72: {  	s19 =	smov.u32 s17  }
.LBB2_10:
.Ltmp10:
0x73: {  	(pc) =	sbr.rel @p0 .LBB2_16-.Ltmp10, $3  }
0x74: {  	_ =	sdelay $0x1  }
0x75: {  	s17 =	sadd.s32 s16, s19  }
0x76: {  	v7 =	vimm.s32 $0x0;
	s17 =	sshra.s32 s17, $0x1  }
0x77: {  	p2 =	sne.s32 s20, $0x1  }
.Ltmp11:
0x78: {  	_ = 	snop;
	(pc) =	sbr.rel @!p2 .LBB2_12-.Ltmp11, $4  }
0x79: {  	_ = 	snop  }
0x7a: {  	v6 =	vmov s17  }
0x7b: {  	s21 =	simm.s32 $0x40;
	v6 =	vbroadcast v6, $0x0  }
0x7c: {  	s22 =	sadd.s32 $0xFFFFFFFF, s20;
	p1 =	por $0x0, $0x0;
	v8 =	vld [tilespmem:s21+$0xFFFFFFC0]  }
0x7d: {  	v12 =	vld [tilespmem:s21+$0xFFFFFFD0]  }
0x7e: {  	v13 =	vld [tilespmem:s21+$0xFFFFFFE0]  }
0x7f: {  	v15 =	vld [tilespmem:s21+$0xFFFFFFF0];
	p2 =	sne.s32 s22, $0x1  }
.Ltmp12:
0x80: {  	v11 =	vld [tilespmem:s21+$0x0];
	(pc) =	sbr.rel @!p2 .LBB2_15-.Ltmp12, $4  }
0x81: {  	v9 =	vld [tilespmem:s21+$0x10];
	vm0 =	vge.f32 v8, v6  }
0x82: {  	v10 =	vld [tilespmem:s21+$0x20];
	v8 =	vsel vm0, $0x1, v1;
	vm0 =	vge.f32 v12, v6  }
0x83: {  	v12 =	vld [tilespmem:s21+$0x30];
	s21 =	simm.s32 $0xC0;
	v14 =	vadd.s32 v8, v7;
	v16 =	vsel vm0, $0x1, v1;
	vm0 =	vge.f32 v13, v6  }
0x84: {  	s22 =	sadd.s32 $0xFFFFFFFF, s22;
	p1 =	por $0x1, $0x1;
	v8 =	vld [tilespmem:s21+$0xFFFFFFC0];
	v13 =	vadd.s32 v16, v14;
	v14 =	vsel vm0, $0x1, v1;
	vm0 =	vge.f32 v15, v6  }
.LBB2_14:
0x85: {  	p2 =	sne.s32 s22, $0x1;
	v15 =	vld [tilespmem:s21+$0xFFFFFFD0];
	v13 =	vadd.s32 v14, v13;
	v14 =	vsel vm0, $0x1, v1;
	vm0 =	vge.f32 v11, v6  }
0x86: {  	v16 =	vld [tilespmem:s21+$0xFFFFFFE0];
	v11 =	vadd.s32 v14, v13;
	v13 =	vsel vm0, $0x1, v1;
	vm0 =	vge.f32 v9, v6  }
0x87: {  	v17 =	vld [tilespmem:s21+$0xFFFFFFF0];
	v9 =	vadd.s32 v13, v11;
	v13 =	vsel vm0, $0x1, v1;
	vm0 =	vge.f32 v10, v6  }
.Ltmp13:
0x88: {  	v11 =	vld [tilespmem:s21+$0x0];
	v10 =	vadd.s32 v13, v9;
	v13 =	vsel vm0, $0x1, v1;
	vm0 =	vge.f32 v12, v6;
	(pc) =	sbr.rel @p2 .LBB2_14-.Ltmp13, $4  }
0x89: {  	vm1 =	vge.f32 v8, v6;
	v9 =	vld [tilespmem:s21+$0x10];
	v8 =	vadd.s32 v13, v10;
	v12 =	vsel vm0, $0x1, v1  }
0x8a: {  	v13 =	vsel vm1, $0x1, v1;
	vm0 =	vge.f32 v15, v6;
	v10 =	vld [tilespmem:s21+$0x20];
	v8 =	vadd.s32 v12, v8  }
0x8b: {  	v13 =	vadd.s32 v13, v8;
	v14 =	vsel vm0, $0x1, v1;
	vm0 =	vge.f32 v16, v6;
	v12 =	vld [tilespmem:s21+$0x30];
	s21 =	sadd.s32 $0x80, s21  }
0x8c: {  	s22 =	sadd.s32 $0xFFFFFFFF, s22;
	v8 =	vld [tilespmem:s21+$0xFFFFFFC0];
	v13 =	vadd.s32 v14, v13;
	v14 =	vsel vm0, $0x1, v1;
	vm0 =	vge.f32 v17, v6  }
.Ltmp14:
0x8d: {  	_ = 	snop;
	(pc) =	sbr.rel .LBB2_15-.Ltmp14, $1  }
0x8e: {  	_ =	sdelay $0x3  }
.LBB2_17:
.Ltmp15:
0x8f: {  	(pc) =	sbr.rel @p0 .LBB2_18-.Ltmp15, $3  }
0x90: {  	_ =	sdelay $0x1  }
0x91: {  	v6 =	vmov s17  }
0x92: {  	v8 =	vimm.f32 $0.0e+00;
	v9 =	vimm.s32 $0x0;
	s18 =	simm.s32 $0x0;
	v6 =	vbroadcast v6, $0x0  }
0x93: {  	p1 =	sne.s32 s20, $0x1  }
.Ltmp16:
0x94: {  	_ = 	snop;
	(pc) =	sbr.rel @!p1 .LBB2_20-.Ltmp16, $3  }
0x95: {  	_ =	sdelay $0x1  }
0x96: {  	v7 =	vmov s16;
	s19 =	simm.s32 $0x40  }
0x97: {  	s20 =	sadd.s32 $0xFFFFFFFF, s20;
	p0 =	por $0x0, $0x0;
	v7 =	vbroadcast v7, $0x0;
	v10 =	vld [tilespmem:s19+$0xFFFFFFC0]  }
0x98: {  	_ =	sdelay $0x3  }
0x99: {  	v11 =	vimm.s32 $0x0;
	vm0 =	vge.f32 v10, v6  }
0x9a: {  	[tilespmem:s18+$0x2000] =	vst v10;
	v11 =	vsel vm0, $0xFFFFFFFF, v11  }
0x9b: {  	vm1 =	vge.f32 v10, v7;
	vm2 =	vmneg vm0;
	[tilespmem:$0x1FFF0] =	vst v11;
	v11 =	vld [tilespmem:s19+$0xFFFFFFD0]  }
0x9c: {  	vm1 =	vmand vm1, vm2  }
0x9d: {  	v12 =	vmpcnt.ones.xlane vm1;
	_ =	sdelay $0x1  }
0x9e: {  	(v2sf) =	vpush v12, $0x0  }
0x9f: {  	vm1 =	vge.f32 v11, v6  }
0xa0: {  	vm4 =	vge.f32 v11, v7;
	vm3 =	vmneg vm1  }
0xa1: {  	vm4 =	vmand vm4, vm3  }
0xa2: {  	v54 =	vmpcnt.ones.xlane vm4;
	_ =	sdelay $0x1  }
0xa3: {  	(v2sf) =	vpush v54, $0x0;
	_ =	sdelay $0x8  }
0xa4: {  	s21 =	spop (v2sf)  }
0xa5: {  	p0 =	sgt.s32 s21, $0x0;
	s21 =	simm.s32 $0x10  }
0xa6: {  	s21 =	simm.s32 @!p0 $0x0  }
0xa7: {  	s21 =	sadd.s32 $0x0, s21  }
0xa8: {  	[tilespmem:s21+$0x2000] =	vst v11  }
0xa9: {  	v55 =	vld [tilespmem:s19+$0xFFFFFFE0]  }
0xaa: {  	s22 =	spop (v2sf)  }
0xab: {  	p0 =	sgt.s32 s22, $0x0;
	s22 =	simm.s32 $0x10  }
0xac: {  	s22 =	simm.s32 @!p0 $0x0  }
0xad: {  	s21 =	sadd.s32 s21, s22  }
0xae: {  	vm4 =	vge.f32 v55, v6;
	[tilespmem:s21+$0x2000] =	vst v55  }
0xaf: {  	vm5 =	vge.f32 v55, v7;
	vm6 =	vmneg vm4;
	v13 =	vld [tilespmem:s19+$0xFFFFFFF0]  }
0xb0: {  	vm5 =	vmand vm5, vm6  }
0xb1: {  	v14 =	vmpcnt.ones.xlane vm5;
	_ =	sdelay $0x1  }
0xb2: {  	(v2sf) =	vpush v14, $0x0  }
0xb3: {  	vm5 =	vge.f32 v13, v6  }
0xb4: {  	vm8 =	vge.f32 v13, v7;
	vm7 =	vmneg vm5  }
0xb5: {  	vm8 =	vmand vm8, vm7  }
0xb6: {  	v56 =	vmpcnt.ones.xlane vm8;
	_ =	sdelay $0x1  }
0xb7: {  	(v2sf) =	vpush v56, $0x0;
	_ =	sdelay $0x8  }
0xb8: {  	s25 =	spop (v2sf)  }
0xb9: {  	s22 =	simm.s32 $0x10;
	p0 =	sgt.s32 s25, $0x0  }
0xba: {  	s22 =	simm.s32 @!p0 $0x0  }
0xbb: {  	s21 =	sadd.s32 s21, s22  }
0xbc: {  	[tilespmem:s21+$0x2000] =	vst v13  }
0xbd: {  	v57 =	vld [tilespmem:s19+$0x0]  }
0xbe: {  	s26 =	spop (v2sf)  }
0xbf: {  	s22 =	simm.s32 $0x10;
	p0 =	sgt.s32 s26, $0x0  }
0xc0: {  	s22 =	simm.s32 @!p0 $0x0  }
0xc1: {  	s21 =	sadd.s32 s21, s22  }
0xc2: {  	vm8 =	vge.f32 v57, v6;
	[tilespmem:s21+$0x2000] =	vst v57  }
0xc3: {  	vm9 =	vge.f32 v57, v7;
	vm10 =	vmneg vm8;
	v15 =	vld [tilespmem:s19+$0x10]  }
0xc4: {  	vm9 =	vmand vm9, vm10  }
0xc5: {  	v16 =	vmpcnt.ones.xlane vm9;
	_ =	sdelay $0x1  }
0xc6: {  	(v2sf) =	vpush v16, $0x0  }
0xc7: {  	vm9 =	vge.f32 v15, v6  }
0xc8: {  	vm12 =	vge.f32 v15, v7;
	vm11 =	vmneg vm9  }
0xc9: {  	vm12 =	vmand vm12, vm11  }
0xca: {  	v58 =	vmpcnt.ones.xlane vm12;
	_ =	sdelay $0x1  }
0xcb: {  	(v2sf) =	vpush v58, $0x0;
	_ =	sdelay $0x8  }
0xcc: {  	s28 =	spop (v2sf)  }
0xcd: {  	s22 =	simm.s32 $0x10;
	p0 =	sgt.s32 s28, $0x0  }
0xce: {  	s22 =	simm.s32 @!p0 $0x0  }
0xcf: {  	s21 =	sadd.s32 s21, s22  }
0xd0: {  	[tilespmem:s21+$0x2000] =	vst v15  }
0xd1: {  	v59 =	vld [tilespmem:s19+$0x20]  }
0xd2: {  	s29 =	spop (v2sf)  }
0xd3: {  	s22 =	simm.s32 $0x10;
	p0 =	sgt.s32 s29, $0x0  }
0xd4: {  	s22 =	simm.s32 @!p0 $0x0  }
0xd5: {  	s21 =	sadd.s32 s21, s22  }
0xd6: {  	vm12 =	vge.f32 v59, v6;
	[tilespmem:s21+$0x2000] =	vst v59  }
0xd7: {  	vm13 =	vge.f32 v59, v7;
	vm15 =	vmneg vm12;
	v17 =	vld [tilespmem:s19+$0x30]  }
0xd8: {  	vm13 =	vmand vm13, vm15  }
0xd9: {  	v18 =	vmpcnt.ones.xlane vm13;
	_ =	sdelay $0x1  }
0xda: {  	(v2sf) =	vpush v18, $0x0  }
0xdb: {  	vm13 =	vge.f32 v17, v6  }
0xdc: {  	vm0 =	vge.f32 v17, v7;
	vm14 =	vmneg vm13  }
0xdd: {  	vm0 =	vmand vm0, vm14  }
0xde: {  	v60 =	vmpcnt.ones.xlane vm0  }
0xdf: {  	v10 =	vsel vm2, $0x0, v10  }
0xe0: {  	v8 =	vadd.f32 v10, v8;
	v10 =	vsel vm3, $0x0, v11;
	v11 =	vld [tilespmem:$0x1FFF0];
	(v2sf) =	vpush v60, $0x0;
	_ =	sdelay $0x2  }
0xe1: {  	v8 =	vadd.f32 v10, v8  }
0xe2: {  	v10 =	vsel vm6, $0x0, v55  }
0xe3: {  	v8 =	vadd.f32 v10, v8;
	v10 =	vsel vm7, $0x0, v13;
	vm7 =	vnez.u8 v11  }
0xe4: {  	v11 =	vsel vm7, $0x1, v1  }
0xe5: {  	v8 =	vadd.f32 v10, v8;
	v10 =	vsel vm1, $0x1, v1;
	v9 =	vadd.s32 v11, v9  }
0xe6: {  	v11 =	vsel vm4, $0x1, v1;
	v9 =	vadd.s32 v10, v9  }
0xe7: {  	v10 =	vsel vm5, $0x1, v1;
	v9 =	vadd.s32 v11, v9;
	s30 =	spop (v2sf)  }
0xe8: {  	v9 =	vadd.s32 v10, v9;
	v11 =	vsel vm8, $0x1, v1;
	v61 =	vsel vm10, $0x0, v57;
	s19 =	simm.s32 $0x10;
	p0 =	sgt.s32 s30, $0x0  }
0xe9: {  	v9 =	vadd.s32 v11, v9;
	v8 =	vadd.f32 v61, v8;
	v10 =	vsel vm9, $0x1, v1;
	s19 =	simm.s32 @!p0 $0x0  }
0xea: {  	p1 =	sne.s32 s20, $0x1;
	v62 =	vsel vm11, $0x0, v15;
	v9 =	vadd.s32 v10, v9;
	v10 =	vsel vm12, $0x1, v1;
	s21 =	sadd.s32 s21, s19  }
.Ltmp17:
0xeb: {  	v8 =	vadd.f32 v62, v8;
	v9 =	vadd.s32 v10, v9;
	v10 =	vsel vm13, $0x1, v1;
	s19 =	simm.s32 $0xC0;
	[tilespmem:s21+$0x2000] =	vst v17;
	(pc) =	sbr.rel @!p1 .LBB2_23-.Ltmp17, $4  }
0xec: {  	v63 =	vsel vm15, $0x0, v59;
	v9 =	vadd.s32 v10, v9;
	v10 =	vld [tilespmem:s19+$0xFFFFFFC0]  }
0xed: {  	v8 =	vadd.f32 v63, v8;
	s31 =	spop (v2sf)  }
0xee: {  	s22 =	simm.s32 $0x10;
	v11 =	vsel vm14, $0x0, v17;
	p0 =	sgt.s32 s31, $0x0  }
0xef: {  	s20 =	sadd.s32 $0xFFFFFFFF, s20;
	v8 =	vadd.f32 v11, v8;
	s22 =	simm.s32 @!p0 $0x0;
	p0 =	por $0x1, $0x1  }
.LBB2_22:
0xf0: {  	p1 =	sne.s32 s20, $0x1;
	s20 =	sadd.s32 $0xFFFFFFFF, s20;
	s21 =	sadd.s32 s21, s22  }
0xf1: {  	vm0 =	vge.f32 v10, v6;
	[tilespmem:s21+$0x2000] =	vst v10  }
0xf2: {  	vm2 =	vge.f32 v10, v7;
	vm1 =	vmneg vm0;
	v11 =	vsel vm0, $0x1, v1;
	v14 =	vld [tilespmem:s19+$0xFFFFFFD0]  }
0xf3: {  	vm0 =	vmand vm2, vm1;
	v12 =	vsel vm1, $0x0, v10  }
0xf4: {  	v10 =	vmpcnt.ones.xlane vm0;
	_ =	sdelay $0x1  }
0xf5: {  	(v2sf) =	vpush v10, $0x0  }
0xf6: {  	vm0 =	vge.f32 v14, v6  }
0xf7: {  	vm2 =	vge.f32 v14, v7;
	vm1 =	vmneg vm0;
	v10 =	vsel vm0, $0x1, v1  }
0xf8: {  	vm0 =	vmand vm2, vm1;
	v13 =	vsel vm1, $0x0, v14  }
0xf9: {  	v15 =	vmpcnt.ones.xlane vm0;
	_ =	sdelay $0x1  }
0xfa: {  	(v2sf) =	vpush v15, $0x0;
	_ =	sdelay $0x8  }
0xfb: {  	s22 =	spop (v2sf)  }
0xfc: {  	p2 =	sgt.s32 s22, $0x0;
	s22 =	simm.s32 $0x10  }
0xfd: {  	s22 =	simm.s32 @!p2 $0x0  }
0xfe: {  	s21 =	sadd.s32 s21, s22  }
0xff: {  	[tilespmem:s21+$0x2000] =	vst v14  }
0x100: {  	v14 =	vld [tilespmem:s19+$0xFFFFFFE0]  }
0x101: {  	s22 =	spop (v2sf)  }
0x102: {  	p2 =	sgt.s32 s22, $0x0;
	s22 =	simm.s32 $0x10  }
0x103: {  	s22 =	simm.s32 @!p2 $0x0  }
0x104: {  	s21 =	sadd.s32 s21, s22  }
0x105: {  	vm0 =	vge.f32 v14, v6;
	[tilespmem:s21+$0x2000] =	vst v14  }
0x106: {  	vm2 =	vge.f32 v14, v7;
	vm1 =	vmneg vm0;
	v15 =	vsel vm0, $0x1, v1;
	v16 =	vld [tilespmem:s19+$0xFFFFFFF0]  }
0x107: {  	vm0 =	vmand vm2, vm1;
	v14 =	vsel vm1, $0x0, v14  }
0x108: {  	v17 =	vmpcnt.ones.xlane vm0;
	_ =	sdelay $0x1  }
0x109: {  	(v2sf) =	vpush v17, $0x0  }
0x10a: {  	vm0 =	vge.f32 v16, v6  }
0x10b: {  	vm2 =	vge.f32 v16, v7;
	vm1 =	vmneg vm0;
	v17 =	vsel vm0, $0x1, v1  }
0x10c: {  	vm0 =	vmand vm2, vm1;
	v18 =	vsel vm1, $0x0, v16  }
0x10d: {  	v19 =	vmpcnt.ones.xlane vm0;
	_ =	sdelay $0x1  }
0x10e: {  	(v2sf) =	vpush v19, $0x0;
	_ =	sdelay $0x8  }
0x10f: {  	s22 =	spop (v2sf)  }
0x110: {  	p2 =	sgt.s32 s22, $0x0;
	s22 =	simm.s32 $0x10  }
0x111: {  	s22 =	simm.s32 @!p2 $0x0  }
0x112: {  	s21 =	sadd.s32 s21, s22  }
0x113: {  	[tilespmem:s21+$0x2000] =	vst v16  }
0x114: {  	v16 =	vld [tilespmem:s19+$0x0]  }
0x115: {  	s22 =	spop (v2sf)  }
0x116: {  	p2 =	sgt.s32 s22, $0x0;
	s22 =	simm.s32 $0x10  }
0x117: {  	s22 =	simm.s32 @!p2 $0x0  }
0x118: {  	s21 =	sadd.s32 s21, s22  }
0x119: {  	vm0 =	vge.f32 v16, v6;
	[tilespmem:s21+$0x2000] =	vst v16  }
0x11a: {  	vm2 =	vge.f32 v16, v7;
	vm1 =	vmneg vm0;
	v19 =	vsel vm0, $0x1, v1;
	v20 =	vld [tilespmem:s19+$0x10]  }
0x11b: {  	vm0 =	vmand vm2, vm1;
	v16 =	vsel vm1, $0x0, v16  }
0x11c: {  	v21 =	vmpcnt.ones.xlane vm0;
	_ =	sdelay $0x1  }
0x11d: {  	(v2sf) =	vpush v21, $0x0  }
0x11e: {  	vm0 =	vge.f32 v20, v6  }
0x11f: {  	vm2 =	vge.f32 v20, v7;
	vm1 =	vmneg vm0;
	v21 =	vsel vm0, $0x1, v1  }
0x120: {  	vm0 =	vmand vm2, vm1;
	v22 =	vsel vm1, $0x0, v20  }
0x121: {  	v23 =	vmpcnt.ones.xlane vm0;
	_ =	sdelay $0x1  }
0x122: {  	(v2sf) =	vpush v23, $0x0;
	_ =	sdelay $0x8  }
0x123: {  	s22 =	spop (v2sf)  }
0x124: {  	p2 =	sgt.s32 s22, $0x0;
	s22 =	simm.s32 $0x10  }
0x125: {  	s22 =	simm.s32 @!p2 $0x0  }
0x126: {  	s21 =	sadd.s32 s21, s22  }
0x127: {  	v8 =	vadd.f32 v12, v8;
	[tilespmem:s21+$0x2000] =	vst v20  }
0x128: {  	v12 =	vld [tilespmem:s19+$0x20]  }
0x129: {  	v8 =	vadd.f32 v13, v8;
	s22 =	spop (v2sf)  }
0x12a: {  	p2 =	sgt.s32 s22, $0x0;
	s22 =	simm.s32 $0x10  }
0x12b: {  	v8 =	vadd.f32 v14, v8;
	s22 =	simm.s32 @!p2 $0x0  }
0x12c: {  	v9 =	vadd.s32 v11, v9;
	s21 =	sadd.s32 s21, s22  }
0x12d: {  	v9 =	vadd.s32 v10, v9;
	v8 =	vadd.f32 v18, v8;
	vm0 =	vge.f32 v12, v6;
	[tilespmem:s21+$0x2000] =	vst v12  }
0x12e: {  	v9 =	vadd.s32 v15, v9;
	vm2 =	vge.f32 v12, v7;
	vm1 =	vmneg vm0;
	v10 =	vld [tilespmem:s19+$0x30]  }
0x12f: {  	v8 =	vadd.f32 v16, v8;
	vm2 =	vmand vm2, vm1;
	v11 =	vsel vm1, $0x0, v12  }
0x130: {  	v9 =	vadd.s32 v17, v9;
	v12 =	vmpcnt.ones.xlane vm2  }
0x131: {  	v9 =	vadd.s32 v19, v9;
	v8 =	vadd.f32 v22, v8  }
0x132: {  	v9 =	vadd.s32 v21, v9;
	v13 =	vsel vm0, $0x1, v1;
	(v2sf) =	vpush v12, $0x0  }
0x133: {  	v9 =	vadd.s32 v13, v9;
	v8 =	vadd.f32 v11, v8;
	vm0 =	vge.f32 v10, v6  }
0x134: {  	vm2 =	vge.f32 v10, v7;
	vm1 =	vmneg vm0;
	v11 =	vsel vm0, $0x1, v1  }
0x135: {  	vm0 =	vmand vm2, vm1;
	v12 =	vsel vm1, $0x0, v10;
	v9 =	vadd.s32 v11, v9  }
0x136: {  	v8 =	vadd.f32 v12, v8;
	v11 =	vmpcnt.ones.xlane vm0;
	_ =	sdelay $0x1  }
0x137: {  	(v2sf) =	vpush v11, $0x0;
	_ =	sdelay $0x8  }
0x138: {  	s22 =	spop (v2sf)  }
0x139: {  	p2 =	sgt.s32 s22, $0x0;
	s22 =	simm.s32 $0x10  }
0x13a: {  	s22 =	simm.s32 @!p2 $0x0  }
0x13b: {  	s21 =	sadd.s32 s21, s22  }
.Ltmp18:
0x13c: {  	s19 =	sadd.s32 $0x80, s19;
	[tilespmem:s21+$0x2000] =	vst v10;
	(pc) =	sbr.rel @p1 .LBB2_22-.Ltmp18, $4  }
0x13d: {  	v10 =	vld [tilespmem:s19+$0xFFFFFFC0]  }
0x13e: {  	s22 =	spop (v2sf)  }
0x13f: {  	p2 =	sgt.s32 s22, $0x0;
	s22 =	simm.s32 $0x10  }
0x140: {  	s22 =	simm.s32 @!p2 $0x0  }
.LBB2_23:
0x141: {  	s20 =	sadd.s32 @p0 s21, s22;
	s21 =	simm.s32 $0x0  }
0x142: {  	v11 =	vimm.s32 $0x0;
	s21 =	smov.u32 @p0 s20;
	vm0 =	vge.f32 v10, v6  }
0x143: {  	v11 =	vsel vm0, $0xFFFFFFFF, v11;
	[tilespmem:s21+$0x2000] =	vst v10  }
0x144: {  	vm1 =	vge.f32 v10, v7;
	vm2 =	vmneg vm0;
	[tilespmem:$0x1FFD0] =	vst v11;
	v11 =	vld [tilespmem:s19+$0xFFFFFFD0]  }
0x145: {  	vm1 =	vmand vm1, vm2  }
0x146: {  	v12 =	vmpcnt.ones.xlane vm1;
	_ =	sdelay $0x1  }
0x147: {  	(v2sf) =	vpush v12, $0x0  }
0x148: {  	vm5 =	vge.f32 v11, v6  }
0x149: {  	vm4 =	vge.f32 v11, v7;
	vm3 =	vmneg vm5  }
0x14a: {  	vm4 =	vmand vm4, vm3  }
0x14b: {  	v58 =	vmpcnt.ones.xlane vm4;
	_ =	sdelay $0x1  }
0x14c: {  	(v2sf) =	vpush v58, $0x0;
	_ =	sdelay $0x8  }
0x14d: {  	s23 =	spop (v2sf)  }
0x14e: {  	s20 =	simm.s32 $0x10;
	p0 =	sgt.s32 s23, $0x0  }
0x14f: {  	s20 =	simm.s32 @!p0 $0x0  }
0x150: {  	s20 =	sadd.s32 s21, s20  }
0x151: {  	[tilespmem:s20+$0x2000] =	vst v11  }
0x152: {  	v59 =	vld [tilespmem:s19+$0xFFFFFFE0]  }
0x153: {  	s24 =	spop (v2sf)  }
0x154: {  	s21 =	simm.s32 $0x10;
	p0 =	sgt.s32 s24, $0x0  }
0x155: {  	s21 =	simm.s32 @!p0 $0x0  }
0x156: {  	s20 =	sadd.s32 s20, s21  }
0x157: {  	v57 =	vimm.s32 $0x0;
	vm4 =	vge.f32 v59, v6;
	[tilespmem:s20+$0x2000] =	vst v59  }
0x158: {  	v12 =	vsel vm5, $0xFFFFFFFF, v57;
	vm5 =	vge.f32 v59, v7;
	vm6 =	vmneg vm4;
	v13 =	vld [tilespmem:s19+$0xFFFFFFF0]  }
0x159: {  	vm5 =	vmand vm5, vm6  }
0x15a: {  	v14 =	vmpcnt.ones.xlane vm5;
	_ =	sdelay $0x1  }
0x15b: {  	(v2sf) =	vpush v14, $0x0  }
0x15c: {  	vm5 =	vge.f32 v13, v6  }
0x15d: {  	vm8 =	vge.f32 v13, v7;
	vm7 =	vmneg vm5  }
0x15e: {  	vm8 =	vmand vm8, vm7  }
0x15f: {  	v60 =	vmpcnt.ones.xlane vm8;
	_ =	sdelay $0x1  }
0x160: {  	(v2sf) =	vpush v60, $0x0;
	_ =	sdelay $0x8  }
0x161: {  	s25 =	spop (v2sf)  }
0x162: {  	s21 =	simm.s32 $0x10;
	p0 =	sgt.s32 s25, $0x0  }
0x163: {  	s21 =	simm.s32 @!p0 $0x0  }
0x164: {  	s20 =	sadd.s32 s20, s21  }
0x165: {  	[tilespmem:s20+$0x2000] =	vst v13  }
0x166: {  	v61 =	vld [tilespmem:s19+$0x0]  }
0x167: {  	s26 =	spop (v2sf)  }
0x168: {  	s21 =	simm.s32 $0x10;
	p0 =	sgt.s32 s26, $0x0  }
0x169: {  	s21 =	simm.s32 @!p0 $0x0  }
0x16a: {  	s20 =	sadd.s32 s20, s21  }
0x16b: {  	vm8 =	vge.f32 v61, v6;
	[tilespmem:s20+$0x2000] =	vst v61  }
0x16c: {  	vm9 =	vge.f32 v61, v7;
	vm10 =	vmneg vm8;
	v15 =	vld [tilespmem:s19+$0x10]  }
0x16d: {  	vm9 =	vmand vm9, vm10  }
0x16e: {  	v16 =	vmpcnt.ones.xlane vm9;
	_ =	sdelay $0x1  }
0x16f: {  	(v2sf) =	vpush v16, $0x0  }
0x170: {  	vm9 =	vge.f32 v15, v6  }
0x171: {  	vm12 =	vge.f32 v15, v7;
	vm11 =	vmneg vm9  }
0x172: {  	vm12 =	vmand vm12, vm11  }
0x173: {  	v62 =	vmpcnt.ones.xlane vm12;
	_ =	sdelay $0x1  }
0x174: {  	(v2sf) =	vpush v62, $0x0;
	_ =	sdelay $0x8  }
0x175: {  	s28 =	spop (v2sf)  }
0x176: {  	s21 =	simm.s32 $0x10;
	p0 =	sgt.s32 s28, $0x0  }
0x177: {  	s21 =	simm.s32 @!p0 $0x0  }
0x178: {  	s20 =	sadd.s32 s20, s21  }
0x179: {  	[tilespmem:s20+$0x2000] =	vst v15  }
0x17a: {  	v63 =	vld [tilespmem:s19+$0x20]  }
0x17b: {  	s29 =	spop (v2sf)  }
0x17c: {  	s21 =	simm.s32 $0x10;
	p0 =	sgt.s32 s29, $0x0  }
0x17d: {  	s21 =	simm.s32 @!p0 $0x0  }
0x17e: {  	s20 =	sadd.s32 s20, s21  }
0x17f: {  	[tilespmem:s20+$0x2000] =	vst v63  }
0x180: {  	v17 =	vld [tilespmem:s19+$0x30];
	_ =	sdelay $0x3  }
0x181: {  	vm14 =	vge.f32 v63, v6  }
0x182: {  	vm13 =	vge.f32 v63, v7;
	vm15 =	vmneg vm14;
	vm12 =	vge.f32 v17, v6  }
0x183: {  	vm1 =	vmand vm13, vm15;
	vm0 =	vge.f32 v17, v7;
	vm13 =	vmneg vm12  }
0x184: {  	v7 =	vmpcnt.ones.xlane vm1;
	vm0 =	vmand vm0, vm13  }
0x185: {  	v18 =	vmpcnt.ones.xlane vm0  }
0x186: {  	(v2sf) =	vpush v7, $0x0;
	v7 =	vsel vm2, $0x0, v10  }
0x187: {  	v7 =	vadd.f32 v7, v8;
	(v2sf) =	vpush v18, $0x0  }
0x188: {  	v8 =	vsel vm3, $0x0, v11  }
0x189: {  	v7 =	vadd.f32 v8, v7  }
0x18a: {  	v8 =	vsel vm6, $0x0, v59  }
0x18b: {  	v7 =	vadd.f32 v8, v7  }
0x18c: {  	[tilespmem:$0x1FFE0] =	vst v12;
	v10 =	vld [tilespmem:$0x1FFD0];
	v8 =	vsel vm7, $0x0, v13  }
0x18d: {  	v7 =	vadd.f32 v8, v7;
	v8 =	vld [tilespmem:$0x1FFE0];
	_ =	sdelay $0x3  }
0x18e: {  	vm6 =	vnez.u8 v10  }
0x18f: {  	v10 =	vsel vm6, $0x1, v1;
	vm7 =	vnez.u8 v8  }
0x190: {  	v11 =	vsel vm10, $0x0, v61;
	v9 =	vadd.s32 v10, v9;
	v8 =	vsel vm7, $0x1, v1  }
0x191: {  	v10 =	vsel vm4, $0x1, v1;
	v7 =	vadd.f32 v11, v7;
	v8 =	vadd.s32 v8, v9  }
0x192: {  	s19 =	simm.s32 $0x10;
	v11 =	vsel vm11, $0x0, v15;
	v9 =	vsel vm5, $0x1, v1;
	v8 =	vadd.s32 v10, v8;
	s30 =	spop (v2sf)  }
.Ltmp19:
0x193: {  	v7 =	vadd.f32 v11, v7;
	v10 =	vsel vm8, $0x1, v1;
	v8 =	vadd.s32 v9, v8;
	p0 =	sgt.s32 s30, $0x0;
	s31 =	spop (v2sf);
	(pc) =	sbr.rel .LBB2_24-.Ltmp19, $4  }
0x194: {  	s21 =	simm.s32 $0x10;
	v11 =	vsel vm15, $0x0, v63;
	v9 =	vsel vm9, $0x1, v1;
	v8 =	vadd.s32 v10, v8;
	s19 =	simm.s32 @!p0 $0x0;
	p0 =	sgt.s32 s31, $0x0  }
0x195: {  	v7 =	vadd.f32 v11, v7;
	v8 =	vadd.s32 v9, v8;
	v9 =	vsel vm14, $0x1, v1;
	s19 =	sadd.s32 s20, s19;
	s21 =	simm.s32 @!p0 $0x0  }
0x196: {  	v10 =	vsel vm13, $0x0, v17;
	v8 =	vadd.s32 v9, v8;
	v9 =	vsel vm12, $0x1, v1;
	s20 =	sadd.s32 s19, s21  }
0x197: {  	[tilespmem:s19+$0x2000] =	vst v17;
	v9 =	vadd.s32 v9, v8;
	v8 =	vadd.f32 v10, v7;
	s19 =	sshra.s32 s20, $0x4  }
.LBB2_18:
0x198: {  	s19 =	simm.s32 $0x0  }
.LBB2_24:
0x199: {  	(xrf0) =	vadd.scan.msk.s32 $0xffff, v9;
	_ =	sdelay $0x5  }
0x19a: {  	v7, _, _ =	vpop (xrf0)  }
0x19b: {  	(v2sf) =	vpush v7, $0xF;
	_ =	sdelay $0xa  }
.Ltmp20:
0x19c: {  	_ = 	snop;
	(pc) =	sbr.rel .LBB2_25-.Ltmp20, $2  }
0x19d: {  	_ =	sdelay $0x2  }
0x19e: {  	p0 =	slt.s32 s19, $0x1;
	s20 =	spop (v2sf)  }
.LBB2_28:
0x19f: {  	vm0 =	vmand vm0, vm1  }
0x1a0: {  	v10 =	vsel vm0, $0x1, v1  }
0x1a1: {  	v9 =	vadd.s32 v10, v9  }
.LBB2_29:
0x1a2: {  	(xrf0) =	vadd.scan.msk.s32 $0xffff, v9;
	_ =	sdelay $0x5  }
0x1a3: {  	v9, _, _ =	vpop (xrf0)  }
0x1a4: {  	(v2sf) =	vpush v9, $0xF;
	_ =	sdelay $0xe  }
0x1a5: {  	s22 =	spop (v2sf)  }
0x1a6: {  	s22 =	sadd.s32 s20, s22  }
0x1a7: {  	s18 =	sadd.s32 $0x1, s18;
	p1 =	sgt.s32 s22, s15  }
0x1a8: {  	s16 =	smov.u32 @p1 s21;
	s21 =	smov.u32 @p1 s17;
	p1 =	sne.s32 s18, $0x12  }
.Ltmp21:
0x1a9: {  	_ = 	snop;
	(pc) =	sbr.rel @!p1 .LBB2_30-.Ltmp21, $2  }
0x1aa: {  	_ =	sdelay $0x2  }
0x1ab: {  	s17 =	smov.u32 s21  }
.LBB2_25:
.Ltmp22:
0x1ac: {  	(pc) =	sbr.rel @p0 .LBB2_29-.Ltmp22, $3  }
0x1ad: {  	_ =	sdelay $0x1  }
0x1ae: {  	s21 =	sadd.s32 s16, s17  }
0x1af: {  	v9 =	vimm.s32 $0x0;
	s21 =	sshra.s32 s21, $0x1  }
0x1b0: {  	s22 =	simm.s32 $0x2000  }
0x1b1: {  	p1 =	sne.s32 s19, $0x1;
	v11 =	vld [tilespmem:s22+$0x0]  }
.Ltmp23:
0x1b2: {  	_ = 	snop;
	(pc) =	sbr.rel @!p1 .LBB2_28-.Ltmp23, $3  }
0x1b3: {  	v10 =	vmov s21  }
0x1b4: {  	v10 =	vbroadcast v10, $0x0;
	_ =	sdelay $0x1  }
0x1b5: {  	s23 =	simm.s32 $0x2010;
	s22 =	sadd.s32 $0xFFFFFFFF, s19;
	vm0 =	vge.f32 v11, v10;
	vm1 =	vlt.f32 v11, v6  }
.LBB2_27:
0x1b6: {  	v11 =	vld [tilespmem:s23+$0x0];
	p1 =	sne.s32 s22, $0x1;
	s22 =	sadd.s32 $0xFFFFFFFF, s22;
	vm0 =	vmand vm0, vm1  }
.Ltmp24:
0x1b7: {  	v12 =	vsel vm0, $0x1, v1;
	(pc) =	sbr.rel @p1 .LBB2_27-.Ltmp24, $2  }
0x1b8: {  	v9 =	vadd.s32 v12, v9;
	_ =	sdelay $0x2  }
0x1b9: {  	s23 =	sadd.s32 $0x10, s23;
	vm0 =	vge.f32 v11, v10;
	vm1 =	vlt.f32 v11, v6  }
.Ltmp25:
0x1ba: {  	_ = 	snop;
	(pc) =	sbr.rel .LBB2_28-.Ltmp25, $1  }
0x1bb: {  	_ =	sdelay $0x3  }
.LBB2_30:
0x1bc: {  	(xrf2) =	vadd.scan.msk.f32 $0xffff, v8;
	_ =	sdelay $0x5  }
.Ltmp26:
0x1bd: {  	_ = 	snop;
	(pc) =	sbr.rel @p0 .LBB2_34-.Ltmp26, $3  }
0x1be: {  	_ =	sdelay $0x1  }
0x1bf: {  	v8 =	vmov s16  }
0x1c0: {  	v10 =	vimm.f32 $0.0e+00;
	v11 =	vimm.s32 $0x0;
	s15 =	simm.s32 $0x2000;
	v8 =	vbroadcast v8, $0x0;
	v9, _, _ =	vpop (xrf2)  }
0x1c1: {  	v12 =	vld [tilespmem:s15+$0x0];
	p0 =	sne.s32 s19, $0x1  }
.Ltmp27:
0x1c2: {  	_ = 	snop;
	(pc) =	sbr.rel @!p0 .LBB2_33-.Ltmp27, $2  }
0x1c3: {  	_ =	sdelay $0x2  }
0x1c4: {  	s15 =	sadd.s32 $0xFFFFFFFF, s19;
	s16 =	simm.s32 $0x2010;
	vm0 =	vgt.f32 v12, v8;
	vm1 =	vlt.f32 v12, v6  }
.LBB2_32:
0x1c5: {  	v13 =	vld [tilespmem:s16+$0x0];
	p0 =	sne.s32 s15, $0x1;
	s15 =	sadd.s32 $0xFFFFFFFF, s15;
	vm0 =	vmand vm0, vm1  }
.Ltmp28:
0x1c6: {  	v12 =	vnsel vm0, $0x0, v12;
	v14 =	vsel vm0, $0x1, v1;
	(pc) =	sbr.rel @p0 .LBB2_32-.Ltmp28, $2  }
0x1c7: {  	v10 =	vadd.f32 v12, v10;
	v11 =	vadd.s32 v14, v11;
	_ =	sdelay $0x2  }
0x1c8: {  	s16 =	sadd.s32 $0x10, s16;
	vm0 =	vgt.f32 v13, v8;
	vm1 =	vlt.f32 v13, v6;
	v12 =	vmov v13  }
.Ltmp29:
0x1c9: {  	_ = 	snop;
	(pc) =	sbr.rel .LBB2_33-.Ltmp29, $1  }
0x1ca: {  	_ =	sdelay $0x3  }
.LBB2_20:
.Ltmp30:
0x1cb: {  	(pc) =	sbr.rel .LBB2_23-.Ltmp30, $2  }
0x1cc: {  	_ =	sdelay $0x2  }
0x1cd: {  	_ = 	snop  }
.LBB2_4:
.Ltmp31:
0x1ce: {  	(pc) =	sbr.rel .LBB2_8-.Ltmp31, $2  }
0x1cf: {  	_ =	sdelay $0x2  }
0x1d0: {  	s18 =	smov.u32 s17  }
.LBB2_6:
.Ltmp32:
0x1d1: {  	(pc) =	sbr.rel .LBB2_8-.Ltmp32, $2  }
0x1d2: {  	_ =	sdelay $0x2  }
0x1d3: {  	s18 =	smov.u32 s17  }
.LBB2_36:
0x1d4: {  	_ =	sfence.sel $0x180000  }
0x1d5: {  	[bflag:$0x0] =	sbarrier.arrive $0xFFFF  }
0x1d6: {  	p0 =	sne.s32 s0, $0x0;
	_ =	strace $0x90000047  }
0x1d7: {  	s0 =	sadd.s32 @!p0 $0x100000, s1;
	[bflag:$0x2] =	sbarrier.arrive $0xFFFF  }
0x1d8: {  	[sflag:s0] =	ssyncadd.tile.s32 @!p0 $0x1;
	_ =	shalt  }
.Lfunc_end2:
_tile_overlayer_lowered:
.L_overlay_start_2:
0x1d9: {  	(tag) =	ssettag $0x2  }
0x1da: {  	s0 =	rddreg [dreg:$0x0];
	s2 =	stileid.u32  }
0x1db: {  	s1 =	rddreg [dreg:$0x1];
	p0 =	sne.s32 s2, $0x0  }
0x1dc: {  	s3 =	rddreg [dreg:$0x2];
	[bflag:$0x3] =	sbarrier.arrive $0xFFFF;
	s2 =	simm.s32 @!p0 $0x1C01  }
0x1dd: {  	[timem:s3], [sflag:s2] =	dma.local @!p0 [hbm:s0], s1  }
0x1de: {  	s0 =	simm.s32 @!p0 $0x1  }
0x1df: {  	_ =	swait.ge @!p0 [sflag:s0], s1  }
0x1e0: {  	s1 =	ssub.s32 @!p0 $0x0, s1;
	[sflag:s0] =	ssyncset.done @!p0 $0x0  }
0x1e1: {  	[sflag:s0] =	ssyncadd.s32 @!p0 s1  }
0x1e2: {  	[bflag:$0x3] =	sbarrier.arrive $0xFFFF  }
0x1e3: {  	_ =	shalt  }

</sc_bundles>
